<compile_context>
chip_gen: v7x
topology: tpu7x:2x2x1
jax: 0.10.2.dev20260603
libtpu: 0.0.44.dev20260713+nightly
codegen_flags: <defaults>
</compile_context>

<pallas_src>
import functools

import jax
import jax.numpy as jnp
from jax import lax
from jax.experimental import pallas as pl
from jax.experimental.pallas import tpu as pltpu
from jax.experimental.pallas import tpu_sc as plsc

_NUM_FIELDS = 26
_FIELD_SIZE = 100000
_BATCH = 16384
_NC = 2
_NS = 16
_NW = _NC * _NS
_BPW = _BATCH // _NW
_CHUNK = 128
_NBLK = _BPW // _CHUNK
_NCHUNK = _NBLK * _NUM_FIELDS
_NSL = _CHUNK // 16
_XPW = _BPW * _NUM_FIELDS

_MESH = plsc.VectorSubcoreMesh(
    core_axis_name="c", subcore_axis_name="s",
    num_cores=_NC, num_subcores=_NS,
)
_PARAMS = pltpu.CompilerParams(needs_layout_passes=False)


@functools.partial(
    pl.kernel,
    mesh=_MESH,
    out_type=jax.ShapeDtypeStruct((_NW, _NCHUNK, _CHUNK), jnp.int32),
    scratch_types=[
        pltpu.VMEM((_BPW, _NUM_FIELDS), jnp.int32),
        pltpu.VMEM((_NCHUNK, _CHUNK), jnp.int32),
    ],
    compiler_params=_PARAMS,
)
def _build_indices(x_hbm, idx_hbm, x_v, idx_v):
    wid = lax.axis_index("s") * _NC + lax.axis_index("c")
    pltpu.sync_copy(x_hbm.at[pl.ds(wid * _BPW, _BPW), :], x_v)

    lanes = jnp.arange(16, dtype=jnp.int32)
    zeros16 = jnp.zeros((16,), jnp.int32)

    for c in range(_NBLK):
        def build(f, _, c=c):
            j = c * _NUM_FIELDS + f
            off = f * _FIELD_SIZE
            cols = zeros16 + f
            for s in range(_NSL):
                rows = (c * _CHUNK + s * 16) + lanes
                vals = plsc.load_gather(x_v, [rows, cols])
                idx_v[j, pl.ds(s * 16, 16)] = vals + off
            return 0

        lax.fori_loop(0, _NUM_FIELDS, build, 0)

    pltpu.sync_copy(idx_v, idx_hbm.at[wid])


@functools.partial(
    pl.kernel,
    mesh=_MESH,
    out_type=jax.ShapeDtypeStruct((_BATCH,), jnp.float32),
    scratch_types=[
        pltpu.VMEM((_NCHUNK, _CHUNK), jnp.int32),
        pltpu.VMEM((_NCHUNK, _CHUNK), jnp.float32),
        pltpu.VMEM((_BPW,), jnp.float32),
        pltpu.SemaphoreType.DMA,
    ],
    compiler_params=_PARAMS,
)
def _gather_sum(idx_hbm, table_hbm, out_hbm, idx_v, val_v, out_v, sem):
    wid = lax.axis_index("s") * _NC + lax.axis_index("c")
    pltpu.sync_copy(idx_hbm.at[wid], idx_v)

    def fire(j, _):
        pltpu.async_copy(table_hbm.at[idx_v.at[j]], val_v.at[j], sem)
        return 0

    lax.fori_loop(0, _NCHUNK, fire, 0)

    def drain(j, _):
        pltpu.make_async_copy(
            table_hbm.at[idx_v.at[j]], val_v.at[j], sem
        ).wait()
        return 0

    lax.fori_loop(0, _NCHUNK, drain, 0)

    for c in range(_NBLK):
        def body(f, acc, c=c):
            j = c * _NUM_FIELDS + f
            row = val_v.at[j]
            return tuple(
                acc[s] + row[pl.ds(s * 16, 16)] for s in range(_NSL)
            )

        zeros = tuple(jnp.zeros((16,), jnp.float32) for _ in range(_NSL))
        acc = lax.fori_loop(0, _NUM_FIELDS, body, zeros)
        for s in range(_NSL):
            out_v[pl.ds(c * _CHUNK + s * 16, 16)] = acc[s]

    pltpu.sync_copy(out_v, out_hbm.at[pl.ds(wid * _BPW, _BPW)])


def kernel(x, fc_weight, bias):
    idx = _build_indices(x.astype(jnp.int32))
    table = fc_weight.reshape(-1)
    out = _gather_sum(idx, table)
    return out.reshape(_BATCH, 1) + bias[None, :]

# --- scband reference (transcript-rebuilt; emitter-appended) ---
"""Pipeline reference for scband-features-linear-33346126086766 (READ-ONLY COPY).

The authoritative reference and input builder live on the scoring server;
editing this copy changes nothing except your own understanding.
"""

import jax, jax.numpy as jnp
import numpy as np

FIELD_DIMS = [100000] * 26
OUTPUT_DIM = 1
BATCH = 16384


def setup_inputs(seed: int = 0) -> dict:
    key = jax.random.key(seed)
    k_x, k_w = jax.random.split(key)
    x = jax.random.randint(k_x, (BATCH, len(FIELD_DIMS)), 0, 100000, dtype=jnp.int64 if jax.config.read('jax_enable_x64') else jnp.int32)
    x = x.astype(jnp.int32)
    total_rows = int(sum(FIELD_DIMS))
    fc_weight = jax.random.normal(k_w, (total_rows, OUTPUT_DIM), dtype=jnp.float32) * 0.01
    bias = jnp.zeros((OUTPUT_DIM,), dtype=jnp.float32)
    return {"x": x, "fc_weight": fc_weight, "bias": bias}


def reference(x, fc_weight, bias):
    offsets = jnp.asarray(np.array((0, *np.cumsum(FIELD_DIMS)[:-1])), dtype=x.dtype)
    idx = x + offsets[None, :]
    emb = jnp.take(fc_weight, idx, axis=0)  # [B, F, output_dim]
    out = jnp.sum(emb, axis=1) + bias  # [B, output_dim]
    return out

if __name__ == "__main__":
    import jax
    _d = setup_inputs()
    print(jax.jit(kernel)(*tuple(_d.values())))

</pallas_src>

<mosaic_0001>
#map = affine_map<(d0, d1) -> (0, 0)>
#map1 = affine_map<(d0, d1) -> (0, 0, 0)>
module attributes {stable_mosaic.version = 14 : i64} {
  func.func @_build_indices(%arg0: i32, %arg1: i32, %arg2: memref<16384x26xi32, #tpu.memory_space<hbm>>, %arg3: memref<32x104x128xi32, #tpu.memory_space<hbm>>, %arg4: memref<512x26xi32, #tpu.memory_space<vmem>>, %arg5: memref<104x128xi32, #tpu.memory_space<vmem>>) attributes {dimension_semantics = [#tpu.dimension_semantics<core_parallel>, #tpu.dimension_semantics<subcore_parallel>], iteration_bounds = array<i64: 2, 16>, scalar_prefetch = 0 : i64, scratch_operands = 2 : i64, tpu.core_type = #tpu.core_type<sc_vector_subcore>, window_params = [{transform_indices = #map}, {transform_indices = #map1}]} {
    %mul3A = arith.constant 2 : i32
    %mul3A_0 = arith.muli %arg1, %mul3A : i32
    %add3A = arith.addi %mul3A_0, %arg0 : i32
    %mul3A_1 = arith.constant 512 : i32
    %mul3A_2 = arith.muli %add3A, %mul3A_1 : i32
    "tpu.region"() ({
      %run_scoped3A = tpu.sem_alloc : memref<!tpu.dma_semaphore, #tpu.memory_space<semaphore_mem>>
      %dma_start3A = arith.constant 0 : i32
      %dma_start3A_31 = tpu.memref_slice %arg2[%mul3A_2, %dma_start3A] : memref<16384x26xi32, #tpu.memory_space<hbm>> -> memref<512x26xi32, #tpu.memory_space<hbm>>
      %dma_start3A_32 = arith.constant 0 : i32
      %dma_start3A_33 = tpu.memref_slice %arg2[%mul3A_2, %dma_start3A_32] : memref<16384x26xi32, #tpu.memory_space<hbm>> -> memref<512x26xi32, #tpu.memory_space<hbm>>
      tpu.enqueue_dma source(%dma_start3A_33 : memref<512x26xi32, #tpu.memory_space<hbm>>) target(%arg4 : memref<512x26xi32, #tpu.memory_space<vmem>>) target_semaphore(%run_scoped3A : memref<!tpu.dma_semaphore, #tpu.memory_space<semaphore_mem>>)
      %dma_wait3A = arith.constant 0 : i32
      %dma_wait3A_34 = tpu.memref_slice %arg2[%mul3A_2, %dma_wait3A] : memref<16384x26xi32, #tpu.memory_space<hbm>> -> memref<512x26xi32, #tpu.memory_space<hbm>>
      %dma_wait3A_35 = arith.constant 0 : i32
      %dma_wait3A_36 = tpu.memref_slice %arg2[%mul3A_2, %dma_wait3A_35] : memref<16384x26xi32, #tpu.memory_space<hbm>> -> memref<512x26xi32, #tpu.memory_space<hbm>>
      tpu.wait_dma2 semaphore(%run_scoped3A : memref<!tpu.dma_semaphore, #tpu.memory_space<semaphore_mem>>) src(%dma_wait3A_36 : memref<512x26xi32, #tpu.memory_space<hbm>>) dst(%arg4 : memref<512x26xi32, #tpu.memory_space<vmem>>)
      tpu.yield
    }) : () -> ()
    %iota3A = tpu.iota {dimensions = array<i32: 0>} : vector<16xi32>
    %broadcast_in_dim3A = arith.constant 0 : i32
    %broadcast_in_dim3A_3 = vector.broadcast %broadcast_in_dim3A : i32 to vector<16xi32>
    %scan3A = arith.constant 0 : i32
    %scan3A_4 = arith.constant 0 : i32
    %scan3A_5 = arith.constant 26 : i32
    %scan3A_6 = arith.addi %scan3A_4, %scan3A_5 : i32
    %scan3A_7 = arith.constant 1 : i32
    %scan3A_8 = scf.for %scan3A_31 = %scan3A_4 to %scan3A_6 step %scan3A_7 iter_args(%scan3A_32 = %scan3A) -> (i32)  : i32 {
      %add3A_33 = arith.constant 0 : i32
      %add3A_34 = arith.addi %add3A_33, %scan3A_31 : i32
      %mul3A_35 = arith.constant 100000 : i32
      %mul3A_36 = arith.muli %scan3A_31, %mul3A_35 : i32
      %add3A_37 = vector.broadcast %scan3A_31 : i32 to vector<16xi32>
      %add3A_38 = arith.addi %broadcast_in_dim3A_3, %add3A_37 : vector<16xi32>
      %add3A_39 = arith.constant 0 : i32
      %add3A_40 = vector.broadcast %add3A_39 : i32 to vector<16xi32>
      %add3A_41 = arith.addi %add3A_40, %iota3A : vector<16xi32>
      %gather3A = tpu.vector_load_idx %arg4[%add3A_41, %add3A_38] : memref<512x26xi32, #tpu.memory_space<vmem>>[vector<16xi32>, vector<16xi32>], vector<16xi32>,
      %add3A_42 = vector.broadcast %mul3A_36 : i32 to vector<16xi32>
      %add3A_43 = arith.addi %gather3A, %add3A_42 : vector<16xi32>
      %swap3A = arith.index_cast %add3A_34 : i32 to index
      %swap3A_44 = arith.constant 0 : index
      %swap3A_45 = tpu.vector_load %arg5[%swap3A, %swap3A_44] {strides = array<i32>} : memref<104x128xi32, #tpu.memory_space<vmem>>, vector<16xi32>,
      tpu.vector_store %arg5[%swap3A, %swap3A_44], %add3A_43 {strides = array<i32>} : memref<104x128xi32, #tpu.memory_space<vmem>>, vector<16xi32>,
      %add3A_46 = arith.constant 16 : i32
      %add3A_47 = vector.broadcast %add3A_46 : i32 to vector<16xi32>
      %add3A_48 = arith.addi %add3A_47, %iota3A : vector<16xi32>
      %gather3A_49 = tpu.vector_load_idx %arg4[%add3A_48, %add3A_38] : memref<512x26xi32, #tpu.memory_space<vmem>>[vector<16xi32>, vector<16xi32>], vector<16xi32>,
      %add3A_50 = vector.broadcast %mul3A_36 : i32 to vector<16xi32>
      %add3A_51 = arith.addi %gather3A_49, %add3A_50 : vector<16xi32>
      %swap3A_52 = arith.index_cast %add3A_34 : i32 to index
      %swap3A_53 = arith.constant 16 : index
      %swap3A_54 = tpu.vector_load %arg5[%swap3A_52, %swap3A_53] {strides = array<i32>} : memref<104x128xi32, #tpu.memory_space<vmem>>, vector<16xi32>,
      tpu.vector_store %arg5[%swap3A_52, %swap3A_53], %add3A_51 {strides = array<i32>} : memref<104x128xi32, #tpu.memory_space<vmem>>, vector<16xi32>,
      %add3A_55 = arith.constant 32 : i32
      %add3A_56 = vector.broadcast %add3A_55 : i32 to vector<16xi32>
      %add3A_57 = arith.addi %add3A_56, %iota3A : vector<16xi32>
      %gather3A_58 = tpu.vector_load_idx %arg4[%add3A_57, %add3A_38] : memref<512x26xi32, #tpu.memory_space<vmem>>[vector<16xi32>, vector<16xi32>], vector<16xi32>,
      %add3A_59 = vector.broadcast %mul3A_36 : i32 to vector<16xi32>
      %add3A_60 = arith.addi %gather3A_58, %add3A_59 : vector<16xi32>
      %swap3A_61 = arith.index_cast %add3A_34 : i32 to index
      %swap3A_62 = arith.constant 32 : index
      %swap3A_63 = tpu.vector_load %arg5[%swap3A_61, %swap3A_62] {strides = array<i32>} : memref<104x128xi32, #tpu.memory_space<vmem>>, vector<16xi32>,
      tpu.vector_store %arg5[%swap3A_61, %swap3A_62], %add3A_60 {strides = array<i32>} : memref<104x128xi32, #tpu.memory_space<vmem>>, vector<16xi32>,
      %add3A_64 = arith.constant 48 : i32
      %add3A_65 = vector.broadcast %add3A_64 : i32 to vector<16xi32>
      %add3A_66 = arith.addi %add3A_65, %iota3A : vector<16xi32>
      %gather3A_67 = tpu.vector_load_idx %arg4[%add3A_66, %add3A_38] : memref<512x26xi32, #tpu.memory_space<vmem>>[vector<16xi32>, vector<16xi32>], vector<16xi32>,
      %add3A_68 = vector.broadcast %mul3A_36 : i32 to vector<16xi32>
      %add3A_69 = arith.addi %gather3A_67, %add3A_68 : vector<16xi32>
      %swap3A_70 = arith.index_cast %add3A_34 : i32 to index
      %swap3A_71 = arith.constant 48 : index
      %swap3A_72 = tpu.vector_load %arg5[%swap3A_70, %swap3A_71] {strides = array<i32>} : memref<104x128xi32, #tpu.memory_space<vmem>>, vector<16xi32>,
      tpu.vector_store %arg5[%swap3A_70, %swap3A_71], %add3A_69 {strides = array<i32>} : memref<104x128xi32, #tpu.memory_space<vmem>>, vector<16xi32>,
      %add3A_73 = arith.constant 64 : i32
      %add3A_74 = vector.broadcast %add3A_73 : i32 to vector<16xi32>
      %add3A_75 = arith.addi %add3A_74, %iota3A : vector<16xi32>
      %gather3A_76 = tpu.vector_load_idx %arg4[%add3A_75, %add3A_38] : memref<512x26xi32, #tpu.memory_space<vmem>>[vector<16xi32>, vector<16xi32>], vector<16xi32>,
      %add3A_77 = vector.broadcast %mul3A_36 : i32 to vector<16xi32>
      %add3A_78 = arith.addi %gather3A_76, %add3A_77 : vector<16xi32>
      %swap3A_79 = arith.index_cast %add3A_34 : i32 to index
      %swap3A_80 = arith.constant 64 : index
      %swap3A_81 = tpu.vector_load %arg5[%swap3A_79, %swap3A_80] {strides = array<i32>} : memref<104x128xi32, #tpu.memory_space<vmem>>, vector<16xi32>,
      tpu.vector_store %arg5[%swap3A_79, %swap3A_80], %add3A_78 {strides = array<i32>} : memref<104x128xi32, #tpu.memory_space<vmem>>, vector<16xi32>,
      %add3A_82 = arith.constant 80 : i32
      %add3A_83 = vector.broadcast %add3A_82 : i32 to vector<16xi32>
      %add3A_84 = arith.addi %add3A_83, %iota3A : vector<16xi32>
      %gather3A_85 = tpu.vector_load_idx %arg4[%add3A_84, %add3A_38] : memref<512x26xi32, #tpu.memory_space<vmem>>[vector<16xi32>, vector<16xi32>], vector<16xi32>,
      %add3A_86 = vector.broadcast %mul3A_36 : i32 to vector<16xi32>
      %add3A_87 = arith.addi %gather3A_85, %add3A_86 : vector<16xi32>
      %swap3A_88 = arith.index_cast %add3A_34 : i32 to index
      %swap3A_89 = arith.constant 80 : index
      %swap3A_90 = tpu.vector_load %arg5[%swap3A_88, %swap3A_89] {strides = array<i32>} : memref<104x128xi32, #tpu.memory_space<vmem>>, vector<16xi32>,
      tpu.vector_store %arg5[%swap3A_88, %swap3A_89], %add3A_87 {strides = array<i32>} : memref<104x128xi32, #tpu.memory_space<vmem>>, vector<16xi32>,
      %add3A_91 = arith.constant 96 : i32
      %add3A_92 = vector.broadcast %add3A_91 : i32 to vector<16xi32>
      %add3A_93 = arith.addi %add3A_92, %iota3A : vector<16xi32>
      %gather3A_94 = tpu.vector_load_idx %arg4[%add3A_93, %add3A_38] : memref<512x26xi32, #tpu.memory_space<vmem>>[vector<16xi32>, vector<16xi32>], vector<16xi32>,
      %add3A_95 = vector.broadcast %mul3A_36 : i32 to vector<16xi32>
      %add3A_96 = arith.addi %gather3A_94, %add3A_95 : vector<16xi32>
      %swap3A_97 = arith.index_cast %add3A_34 : i32 to index
      %swap3A_98 = arith.constant 96 : index
      %swap3A_99 = tpu.vector_load %arg5[%swap3A_97, %swap3A_98] {strides = array<i32>} : memref<104x128xi32, #tpu.memory_space<vmem>>, vector<16xi32>,
      tpu.vector_store %arg5[%swap3A_97, %swap3A_98], %add3A_96 {strides = array<i32>} : memref<104x128xi32, #tpu.memory_space<vmem>>, vector<16xi32>,
      %add3A_100 = arith.constant 112 : i32
      %add3A_101 = vector.broadcast %add3A_100 : i32 to vector<16xi32>
      %add3A_102 = arith.addi %add3A_101, %iota3A : vector<16xi32>
      %gather3A_103 = tpu.vector_load_idx %arg4[%add3A_102, %add3A_38] : memref<512x26xi32, #tpu.memory_space<vmem>>[vector<16xi32>, vector<16xi32>], vector<16xi32>,
      %add3A_104 = vector.broadcast %mul3A_36 : i32 to vector<16xi32>
      %add3A_105 = arith.addi %gather3A_103, %add3A_104 : vector<16xi32>
      %swap3A_106 = arith.index_cast %add3A_34 : i32 to index
      %swap3A_107 = arith.constant 112 : index
      %swap3A_108 = tpu.vector_load %arg5[%swap3A_106, %swap3A_107] {strides = array<i32>} : memref<104x128xi32, #tpu.memory_space<vmem>>, vector<16xi32>,
      tpu.vector_store %arg5[%swap3A_106, %swap3A_107], %add3A_105 {strides = array<i32>} : memref<104x128xi32, #tpu.memory_space<vmem>>, vector<16xi32>,
      %scan3A_109 = arith.constant 0 : i32
      scf.yield %scan3A_109 : i32
    }
    %scan3A_9 = arith.constant 26 : i32
    %scan3A_10 = arith.constant 0 : i32
    %scan3A_11 = arith.constant 0 : i32
    %scan3A_12 = arith.constant 26 : i32
    %scan3A_13 = arith.addi %scan3A_11, %scan3A_12 : i32
    %scan3A_14 = arith.constant 1 : i32
    %scan3A_15 = scf.for %scan3A_31 = %scan3A_11 to %scan3A_13 step %scan3A_14 iter_args(%scan3A_32 = %scan3A_10) -> (i32)  : i32 {
      %add3A_33 = arith.constant 26 : i32
      %add3A_34 = arith.addi %add3A_33, %scan3A_31 : i32
      %mul3A_35 = arith.constant 100000 : i32
      %mul3A_36 = arith.muli %scan3A_31, %mul3A_35 : i32
      %add3A_37 = vector.broadcast %scan3A_31 : i32 to vector<16xi32>
      %add3A_38 = arith.addi %broadcast_in_dim3A_3, %add3A_37 : vector<16xi32>
      %add3A_39 = arith.constant 128 : i32
      %add3A_40 = vector.broadcast %add3A_39 : i32 to vector<16xi32>
      %add3A_41 = arith.addi %add3A_40, %iota3A : vector<16xi32>
      %gather3A = tpu.vector_load_idx %arg4[%add3A_41, %add3A_38] : memref<512x26xi32, #tpu.memory_space<vmem>>[vector<16xi32>, vector<16xi32>], vector<16xi32>,
      %add3A_42 = vector.broadcast %mul3A_36 : i32 to vector<16xi32>
      %add3A_43 = arith.addi %gather3A, %add3A_42 : vector<16xi32>
      %swap3A = arith.index_cast %add3A_34 : i32 to index
      %swap3A_44 = arith.constant 0 : index
      %swap3A_45 = tpu.vector_load %arg5[%swap3A, %swap3A_44] {strides = array<i32>} : memref<104x128xi32, #tpu.memory_space<vmem>>, vector<16xi32>,
      tpu.vector_store %arg5[%swap3A, %swap3A_44], %add3A_43 {strides = array<i32>} : memref<104x128xi32, #tpu.memory_space<vmem>>, vector<16xi32>,
      %add3A_46 = arith.constant 144 : i32
      %add3A_47 = vector.broadcast %add3A_46 : i32 to vector<16xi32>
      %add3A_48 = arith.addi %add3A_47, %iota3A : vector<16xi32>
      %gather3A_49 = tpu.vector_load_idx %arg4[%add3A_48, %add3A_38] : memref<512x26xi32, #tpu.memory_space<vmem>>[vector<16xi32>, vector<16xi32>], vector<16xi32>,
      %add3A_50 = vector.broadcast %mul3A_36 : i32 to vector<16xi32>
      %add3A_51 = arith.addi %gather3A_49, %add3A_50 : vector<16xi32>
      %swap3A_52 = arith.index_cast %add3A_34 : i32 to index
      %swap3A_53 = arith.constant 16 : index
      %swap3A_54 = tpu.vector_load %arg5[%swap3A_52, %swap3A_53] {strides = array<i32>} : memref<104x128xi32, #tpu.memory_space<vmem>>, vector<16xi32>,
      tpu.vector_store %arg5[%swap3A_52, %swap3A_53], %add3A_51 {strides = array<i32>} : memref<104x128xi32, #tpu.memory_space<vmem>>, vector<16xi32>,
      %add3A_55 = arith.constant 160 : i32
      %add3A_56 = vector.broadcast %add3A_55 : i32 to vector<16xi32>
      %add3A_57 = arith.addi %add3A_56, %iota3A : vector<16xi32>
      %gather3A_58 = tpu.vector_load_idx %arg4[%add3A_57, %add3A_38] : memref<512x26xi32, #tpu.memory_space<vmem>>[vector<16xi32>, vector<16xi32>], vector<16xi32>,
      %add3A_59 = vector.broadcast %mul3A_36 : i32 to vector<16xi32>
      %add3A_60 = arith.addi %gather3A_58, %add3A_59 : vector<16xi32>
      %swap3A_61 = arith.index_cast %add3A_34 : i32 to index
      %swap3A_62 = arith.constant 32 : index
      %swap3A_63 = tpu.vector_load %arg5[%swap3A_61, %swap3A_62] {strides = array<i32>} : memref<104x128xi32, #tpu.memory_space<vmem>>, vector<16xi32>,
      tpu.vector_store %arg5[%swap3A_61, %swap3A_62], %add3A_60 {strides = array<i32>} : memref<104x128xi32, #tpu.memory_space<vmem>>, vector<16xi32>,
      %add3A_64 = arith.constant 176 : i32
      %add3A_65 = vector.broadcast %add3A_64 : i32 to vector<16xi32>
      %add3A_66 = arith.addi %add3A_65, %iota3A : vector<16xi32>
      %gather3A_67 = tpu.vector_load_idx %arg4[%add3A_66, %add3A_38] : memref<512x26xi32, #tpu.memory_space<vmem>>[vector<16xi32>, vector<16xi32>], vector<16xi32>,
      %add3A_68 = vector.broadcast %mul3A_36 : i32 to vector<16xi32>
      %add3A_69 = arith.addi %gather3A_67, %add3A_68 : vector<16xi32>
      %swap3A_70 = arith.index_cast %add3A_34 : i32 to index
      %swap3A_71 = arith.constant 48 : index
      %swap3A_72 = tpu.vector_load %arg5[%swap3A_70, %swap3A_71] {strides = array<i32>} : memref<104x128xi32, #tpu.memory_space<vmem>>, vector<16xi32>,
      tpu.vector_store %arg5[%swap3A_70, %swap3A_71], %add3A_69 {strides = array<i32>} : memref<104x128xi32, #tpu.memory_space<vmem>>, vector<16xi32>,
      %add3A_73 = arith.constant 192 : i32
      %add3A_74 = vector.broadcast %add3A_73 : i32 to vector<16xi32>
      %add3A_75 = arith.addi %add3A_74, %iota3A : vector<16xi32>
      %gather3A_76 = tpu.vector_load_idx %arg4[%add3A_75, %add3A_38] : memref<512x26xi32, #tpu.memory_space<vmem>>[vector<16xi32>, vector<16xi32>], vector<16xi32>,
      %add3A_77 = vector.broadcast %mul3A_36 : i32 to vector<16xi32>
      %add3A_78 = arith.addi %gather3A_76, %add3A_77 : vector<16xi32>
      %swap3A_79 = arith.index_cast %add3A_34 : i32 to index
      %swap3A_80 = arith.constant 64 : index
      %swap3A_81 = tpu.vector_load %arg5[%swap3A_79, %swap3A_80] {strides = array<i32>} : memref<104x128xi32, #tpu.memory_space<vmem>>, vector<16xi32>,
      tpu.vector_store %arg5[%swap3A_79, %swap3A_80], %add3A_78 {strides = array<i32>} : memref<104x128xi32, #tpu.memory_space<vmem>>, vector<16xi32>,
      %add3A_82 = arith.constant 208 : i32
      %add3A_83 = vector.broadcast %add3A_82 : i32 to vector<16xi32>
      %add3A_84 = arith.addi %add3A_83, %iota3A : vector<16xi32>
      %gather3A_85 = tpu.vector_load_idx %arg4[%add3A_84, %add3A_38] : memref<512x26xi32, #tpu.memory_space<vmem>>[vector<16xi32>, vector<16xi32>], vector<16xi32>,
      %add3A_86 = vector.broadcast %mul3A_36 : i32 to vector<16xi32>
      %add3A_87 = arith.addi %gather3A_85, %add3A_86 : vector<16xi32>
      %swap3A_88 = arith.index_cast %add3A_34 : i32 to index
      %swap3A_89 = arith.constant 80 : index
      %swap3A_90 = tpu.vector_load %arg5[%swap3A_88, %swap3A_89] {strides = array<i32>} : memref<104x128xi32, #tpu.memory_space<vmem>>, vector<16xi32>,
      tpu.vector_store %arg5[%swap3A_88, %swap3A_89], %add3A_87 {strides = array<i32>} : memref<104x128xi32, #tpu.memory_space<vmem>>, vector<16xi32>,
      %add3A_91 = arith.constant 224 : i32
      %add3A_92 = vector.broadcast %add3A_91 : i32 to vector<16xi32>
      %add3A_93 = arith.addi %add3A_92, %iota3A : vector<16xi32>
      %gather3A_94 = tpu.vector_load_idx %arg4[%add3A_93, %add3A_38] : memref<512x26xi32, #tpu.memory_space<vmem>>[vector<16xi32>, vector<16xi32>], vector<16xi32>,
      %add3A_95 = vector.broadcast %mul3A_36 : i32 to vector<16xi32>
      %add3A_96 = arith.addi %gather3A_94, %add3A_95 : vector<16xi32>
      %swap3A_97 = arith.index_cast %add3A_34 : i32 to index
      %swap3A_98 = arith.constant 96 : index
      %swap3A_99 = tpu.vector_load %arg5[%swap3A_97, %swap3A_98] {strides = array<i32>} : memref<104x128xi32, #tpu.memory_space<vmem>>, vector<16xi32>,
      tpu.vector_store %arg5[%swap3A_97, %swap3A_98], %add3A_96 {strides = array<i32>} : memref<104x128xi32, #tpu.memory_space<vmem>>, vector<16xi32>,
      %add3A_100 = arith.constant 240 : i32
      %add3A_101 = vector.broadcast %add3A_100 : i32 to vector<16xi32>
      %add3A_102 = arith.addi %add3A_101, %iota3A : vector<16xi32>
      %gather3A_103 = tpu.vector_load_idx %arg4[%add3A_102, %add3A_38] : memref<512x26xi32, #tpu.memory_space<vmem>>[vector<16xi32>, vector<16xi32>], vector<16xi32>,
      %add3A_104 = vector.broadcast %mul3A_36 : i32 to vector<16xi32>
      %add3A_105 = arith.addi %gather3A_103, %add3A_104 : vector<16xi32>
      %swap3A_106 = arith.index_cast %add3A_34 : i32 to index
      %swap3A_107 = arith.constant 112 : index
      %swap3A_108 = tpu.vector_load %arg5[%swap3A_106, %swap3A_107] {strides = array<i32>} : memref<104x128xi32, #tpu.memory_space<vmem>>, vector<16xi32>,
      tpu.vector_store %arg5[%swap3A_106, %swap3A_107], %add3A_105 {strides = array<i32>} : memref<104x128xi32, #tpu.memory_space<vmem>>, vector<16xi32>,
      %scan3A_109 = arith.constant 0 : i32
      scf.yield %scan3A_109 : i32
    }
    %scan3A_16 = arith.constant 26 : i32
    %scan3A_17 = arith.constant 0 : i32
    %scan3A_18 = arith.constant 0 : i32
    %scan3A_19 = arith.constant 26 : i32
    %scan3A_20 = arith.addi %scan3A_18, %scan3A_19 : i32
    %scan3A_21 = arith.constant 1 : i32
    %scan3A_22 = scf.for %scan3A_31 = %scan3A_18 to %scan3A_20 step %scan3A_21 iter_args(%scan3A_32 = %scan3A_17) -> (i32)  : i32 {
      %add3A_33 = arith.constant 52 : i32
      %add3A_34 = arith.addi %add3A_33, %scan3A_31 : i32
      %mul3A_35 = arith.constant 100000 : i32
      %mul3A_36 = arith.muli %scan3A_31, %mul3A_35 : i32
      %add3A_37 = vector.broadcast %scan3A_31 : i32 to vector<16xi32>
      %add3A_38 = arith.addi %broadcast_in_dim3A_3, %add3A_37 : vector<16xi32>
      %add3A_39 = arith.constant 256 : i32
      %add3A_40 = vector.broadcast %add3A_39 : i32 to vector<16xi32>
      %add3A_41 = arith.addi %add3A_40, %iota3A : vector<16xi32>
      %gather3A = tpu.vector_load_idx %arg4[%add3A_41, %add3A_38] : memref<512x26xi32, #tpu.memory_space<vmem>>[vector<16xi32>, vector<16xi32>], vector<16xi32>,
      %add3A_42 = vector.broadcast %mul3A_36 : i32 to vector<16xi32>
      %add3A_43 = arith.addi %gather3A, %add3A_42 : vector<16xi32>
      %swap3A = arith.index_cast %add3A_34 : i32 to index
      %swap3A_44 = arith.constant 0 : index
      %swap3A_45 = tpu.vector_load %arg5[%swap3A, %swap3A_44] {strides = array<i32>} : memref<104x128xi32, #tpu.memory_space<vmem>>, vector<16xi32>,
      tpu.vector_store %arg5[%swap3A, %swap3A_44], %add3A_43 {strides = array<i32>} : memref<104x128xi32, #tpu.memory_space<vmem>>, vector<16xi32>,
      %add3A_46 = arith.constant 272 : i32
      %add3A_47 = vector.broadcast %add3A_46 : i32 to vector<16xi32>
      %add3A_48 = arith.addi %add3A_47, %iota3A : vector<16xi32>
      %gather3A_49 = tpu.vector_load_idx %arg4[%add3A_48, %add3A_38] : memref<512x26xi32, #tpu.memory_space<vmem>>[vector<16xi32>, vector<16xi32>], vector<16xi32>,
      %add3A_50 = vector.broadcast %mul3A_36 : i32 to vector<16xi32>
      %add3A_51 = arith.addi %gather3A_49, %add3A_50 : vector<16xi32>
      %swap3A_52 = arith.index_cast %add3A_34 : i32 to index
      %swap3A_53 = arith.constant 16 : index
      %swap3A_54 = tpu.vector_load %arg5[%swap3A_52, %swap3A_53] {strides = array<i32>} : memref<104x128xi32, #tpu.memory_space<vmem>>, vector<16xi32>,
      tpu.vector_store %arg5[%swap3A_52, %swap3A_53], %add3A_51 {strides = array<i32>} : memref<104x128xi32, #tpu.memory_space<vmem>>, vector<16xi32>,
      %add3A_55 = arith.constant 288 : i32
      %add3A_56 = vector.broadcast %add3A_55 : i32 to vector<16xi32>
      %add3A_57 = arith.addi %add3A_56, %iota3A : vector<16xi32>
      %gather3A_58 = tpu.vector_load_idx %arg4[%add3A_57, %add3A_38] : memref<512x26xi32, #tpu.memory_space<vmem>>[vector<16xi32>, vector<16xi32>], vector<16xi32>,
      %add3A_59 = vector.broadcast %mul3A_36 : i32 to vector<16xi32>
      %add3A_60 = arith.addi %gather3A_58, %add3A_59 : vector<16xi32>
      %swap3A_61 = arith.index_cast %add3A_34 : i32 to index
      %swap3A_62 = arith.constant 32 : index
      %swap3A_63 = tpu.vector_load %arg5[%swap3A_61, %swap3A_62] {strides = array<i32>} : memref<104x128xi32, #tpu.memory_space<vmem>>, vector<16xi32>,
      tpu.vector_store %arg5[%swap3A_61, %swap3A_62], %add3A_60 {strides = array<i32>} : memref<104x128xi32, #tpu.memory_space<vmem>>, vector<16xi32>,
      %add3A_64 = arith.constant 304 : i32
      %add3A_65 = vector.broadcast %add3A_64 : i32 to vector<16xi32>
      %add3A_66 = arith.addi %add3A_65, %iota3A : vector<16xi32>
      %gather3A_67 = tpu.vector_load_idx %arg4[%add3A_66, %add3A_38] : memref<512x26xi32, #tpu.memory_space<vmem>>[vector<16xi32>, vector<16xi32>], vector<16xi32>,
      %add3A_68 = vector.broadcast %mul3A_36 : i32 to vector<16xi32>
      %add3A_69 = arith.addi %gather3A_67, %add3A_68 : vector<16xi32>
      %swap3A_70 = arith.index_cast %add3A_34 : i32 to index
      %swap3A_71 = arith.constant 48 : index
      %swap3A_72 = tpu.vector_load %arg5[%swap3A_70, %swap3A_71] {strides = array<i32>} : memref<104x128xi32, #tpu.memory_space<vmem>>, vector<16xi32>,
      tpu.vector_store %arg5[%swap3A_70, %swap3A_71], %add3A_69 {strides = array<i32>} : memref<104x128xi32, #tpu.memory_space<vmem>>, vector<16xi32>,
      %add3A_73 = arith.constant 320 : i32
      %add3A_74 = vector.broadcast %add3A_73 : i32 to vector<16xi32>
      %add3A_75 = arith.addi %add3A_74, %iota3A : vector<16xi32>
      %gather3A_76 = tpu.vector_load_idx %arg4[%add3A_75, %add3A_38] : memref<512x26xi32, #tpu.memory_space<vmem>>[vector<16xi32>, vector<16xi32>], vector<16xi32>,
      %add3A_77 = vector.broadcast %mul3A_36 : i32 to vector<16xi32>
      %add3A_78 = arith.addi %gather3A_76, %add3A_77 : vector<16xi32>
      %swap3A_79 = arith.index_cast %add3A_34 : i32 to index
      %swap3A_80 = arith.constant 64 : index
      %swap3A_81 = tpu.vector_load %arg5[%swap3A_79, %swap3A_80] {strides = array<i32>} : memref<104x128xi32, #tpu.memory_space<vmem>>, vector<16xi32>,
      tpu.vector_store %arg5[%swap3A_79, %swap3A_80], %add3A_78 {strides = array<i32>} : memref<104x128xi32, #tpu.memory_space<vmem>>, vector<16xi32>,
      %add3A_82 = arith.constant 336 : i32
      %add3A_83 = vector.broadcast %add3A_82 : i32 to vector<16xi32>
      %add3A_84 = arith.addi %add3A_83, %iota3A : vector<16xi32>
      %gather3A_85 = tpu.vector_load_idx %arg4[%add3A_84, %add3A_38] : memref<512x26xi32, #tpu.memory_space<vmem>>[vector<16xi32>, vector<16xi32>], vector<16xi32>,
      %add3A_86 = vector.broadcast %mul3A_36 : i32 to vector<16xi32>
      %add3A_87 = arith.addi %gather3A_85, %add3A_86 : vector<16xi32>
      %swap3A_88 = arith.index_cast %add3A_34 : i32 to index
      %swap3A_89 = arith.constant 80 : index
      %swap3A_90 = tpu.vector_load %arg5[%swap3A_88, %swap3A_89] {strides = array<i32>} : memref<104x128xi32, #tpu.memory_space<vmem>>, vector<16xi32>,
      tpu.vector_store %arg5[%swap3A_88, %swap3A_89], %add3A_87 {strides = array<i32>} : memref<104x128xi32, #tpu.memory_space<vmem>>, vector<16xi32>,
      %add3A_91 = arith.constant 352 : i32
      %add3A_92 = vector.broadcast %add3A_91 : i32 to vector<16xi32>
      %add3A_93 = arith.addi %add3A_92, %iota3A : vector<16xi32>
      %gather3A_94 = tpu.vector_load_idx %arg4[%add3A_93, %add3A_38] : memref<512x26xi32, #tpu.memory_space<vmem>>[vector<16xi32>, vector<16xi32>], vector<16xi32>,
      %add3A_95 = vector.broadcast %mul3A_36 : i32 to vector<16xi32>
      %add3A_96 = arith.addi %gather3A_94, %add3A_95 : vector<16xi32>
      %swap3A_97 = arith.index_cast %add3A_34 : i32 to index
      %swap3A_98 = arith.constant 96 : index
      %swap3A_99 = tpu.vector_load %arg5[%swap3A_97, %swap3A_98] {strides = array<i32>} : memref<104x128xi32, #tpu.memory_space<vmem>>, vector<16xi32>,
      tpu.vector_store %arg5[%swap3A_97, %swap3A_98], %add3A_96 {strides = array<i32>} : memref<104x128xi32, #tpu.memory_space<vmem>>, vector<16xi32>,
      %add3A_100 = arith.constant 368 : i32
      %add3A_101 = vector.broadcast %add3A_100 : i32 to vector<16xi32>
      %add3A_102 = arith.addi %add3A_101, %iota3A : vector<16xi32>
      %gather3A_103 = tpu.vector_load_idx %arg4[%add3A_102, %add3A_38] : memref<512x26xi32, #tpu.memory_space<vmem>>[vector<16xi32>, vector<16xi32>], vector<16xi32>,
      %add3A_104 = vector.broadcast %mul3A_36 : i32 to vector<16xi32>
      %add3A_105 = arith.addi %gather3A_103, %add3A_104 : vector<16xi32>
      %swap3A_106 = arith.index_cast %add3A_34 : i32 to index
      %swap3A_107 = arith.constant 112 : index
      %swap3A_108 = tpu.vector_load %arg5[%swap3A_106, %swap3A_107] {strides = array<i32>} : memref<104x128xi32, #tpu.memory_space<vmem>>, vector<16xi32>,
      tpu.vector_store %arg5[%swap3A_106, %swap3A_107], %add3A_105 {strides = array<i32>} : memref<104x128xi32, #tpu.memory_space<vmem>>, vector<16xi32>,
      %scan3A_109 = arith.constant 0 : i32
      scf.yield %scan3A_109 : i32
    }
    %scan3A_23 = arith.constant 26 : i32
    %scan3A_24 = arith.constant 0 : i32
    %scan3A_25 = arith.constant 0 : i32
    %scan3A_26 = arith.constant 26 : i32
    %scan3A_27 = arith.addi %scan3A_25, %scan3A_26 : i32
    %scan3A_28 = arith.constant 1 : i32
    %scan3A_29 = scf.for %scan3A_31 = %scan3A_25 to %scan3A_27 step %scan3A_28 iter_args(%scan3A_32 = %scan3A_24) -> (i32)  : i32 {
      %add3A_33 = arith.constant 78 : i32
      %add3A_34 = arith.addi %add3A_33, %scan3A_31 : i32
      %mul3A_35 = arith.constant 100000 : i32
      %mul3A_36 = arith.muli %scan3A_31, %mul3A_35 : i32
      %add3A_37 = vector.broadcast %scan3A_31 : i32 to vector<16xi32>
      %add3A_38 = arith.addi %broadcast_in_dim3A_3, %add3A_37 : vector<16xi32>
      %add3A_39 = arith.constant 384 : i32
      %add3A_40 = vector.broadcast %add3A_39 : i32 to vector<16xi32>
      %add3A_41 = arith.addi %add3A_40, %iota3A : vector<16xi32>
      %gather3A = tpu.vector_load_idx %arg4[%add3A_41, %add3A_38] : memref<512x26xi32, #tpu.memory_space<vmem>>[vector<16xi32>, vector<16xi32>], vector<16xi32>,
      %add3A_42 = vector.broadcast %mul3A_36 : i32 to vector<16xi32>
      %add3A_43 = arith.addi %gather3A, %add3A_42 : vector<16xi32>
      %swap3A = arith.index_cast %add3A_34 : i32 to index
      %swap3A_44 = arith.constant 0 : index
      %swap3A_45 = tpu.vector_load %arg5[%swap3A, %swap3A_44] {strides = array<i32>} : memref<104x128xi32, #tpu.memory_space<vmem>>, vector<16xi32>,
      tpu.vector_store %arg5[%swap3A, %swap3A_44], %add3A_43 {strides = array<i32>} : memref<104x128xi32, #tpu.memory_space<vmem>>, vector<16xi32>,
      %add3A_46 = arith.constant 400 : i32
      %add3A_47 = vector.broadcast %add3A_46 : i32 to vector<16xi32>
      %add3A_48 = arith.addi %add3A_47, %iota3A : vector<16xi32>
      %gather3A_49 = tpu.vector_load_idx %arg4[%add3A_48, %add3A_38] : memref<512x26xi32, #tpu.memory_space<vmem>>[vector<16xi32>, vector<16xi32>], vector<16xi32>,
      %add3A_50 = vector.broadcast %mul3A_36 : i32 to vector<16xi32>
      %add3A_51 = arith.addi %gather3A_49, %add3A_50 : vector<16xi32>
      %swap3A_52 = arith.index_cast %add3A_34 : i32 to index
      %swap3A_53 = arith.constant 16 : index
      %swap3A_54 = tpu.vector_load %arg5[%swap3A_52, %swap3A_53] {strides = array<i32>} : memref<104x128xi32, #tpu.memory_space<vmem>>, vector<16xi32>,
      tpu.vector_store %arg5[%swap3A_52, %swap3A_53], %add3A_51 {strides = array<i32>} : memref<104x128xi32, #tpu.memory_space<vmem>>, vector<16xi32>,
      %add3A_55 = arith.constant 416 : i32
      %add3A_56 = vector.broadcast %add3A_55 : i32 to vector<16xi32>
      %add3A_57 = arith.addi %add3A_56, %iota3A : vector<16xi32>
      %gather3A_58 = tpu.vector_load_idx %arg4[%add3A_57, %add3A_38] : memref<512x26xi32, #tpu.memory_space<vmem>>[vector<16xi32>, vector<16xi32>], vector<16xi32>,
      %add3A_59 = vector.broadcast %mul3A_36 : i32 to vector<16xi32>
      %add3A_60 = arith.addi %gather3A_58, %add3A_59 : vector<16xi32>
      %swap3A_61 = arith.index_cast %add3A_34 : i32 to index
      %swap3A_62 = arith.constant 32 : index
      %swap3A_63 = tpu.vector_load %arg5[%swap3A_61, %swap3A_62] {strides = array<i32>} : memref<104x128xi32, #tpu.memory_space<vmem>>, vector<16xi32>,
      tpu.vector_store %arg5[%swap3A_61, %swap3A_62], %add3A_60 {strides = array<i32>} : memref<104x128xi32, #tpu.memory_space<vmem>>, vector<16xi32>,
      %add3A_64 = arith.constant 432 : i32
      %add3A_65 = vector.broadcast %add3A_64 : i32 to vector<16xi32>
      %add3A_66 = arith.addi %add3A_65, %iota3A : vector<16xi32>
      %gather3A_67 = tpu.vector_load_idx %arg4[%add3A_66, %add3A_38] : memref<512x26xi32, #tpu.memory_space<vmem>>[vector<16xi32>, vector<16xi32>], vector<16xi32>,
      %add3A_68 = vector.broadcast %mul3A_36 : i32 to vector<16xi32>
      %add3A_69 = arith.addi %gather3A_67, %add3A_68 : vector<16xi32>
      %swap3A_70 = arith.index_cast %add3A_34 : i32 to index
      %swap3A_71 = arith.constant 48 : index
      %swap3A_72 = tpu.vector_load %arg5[%swap3A_70, %swap3A_71] {strides = array<i32>} : memref<104x128xi32, #tpu.memory_space<vmem>>, vector<16xi32>,
      tpu.vector_store %arg5[%swap3A_70, %swap3A_71], %add3A_69 {strides = array<i32>} : memref<104x128xi32, #tpu.memory_space<vmem>>, vector<16xi32>,
      %add3A_73 = arith.constant 448 : i32
      %add3A_74 = vector.broadcast %add3A_73 : i32 to vector<16xi32>
      %add3A_75 = arith.addi %add3A_74, %iota3A : vector<16xi32>
      %gather3A_76 = tpu.vector_load_idx %arg4[%add3A_75, %add3A_38] : memref<512x26xi32, #tpu.memory_space<vmem>>[vector<16xi32>, vector<16xi32>], vector<16xi32>,
      %add3A_77 = vector.broadcast %mul3A_36 : i32 to vector<16xi32>
      %add3A_78 = arith.addi %gather3A_76, %add3A_77 : vector<16xi32>
      %swap3A_79 = arith.index_cast %add3A_34 : i32 to index
      %swap3A_80 = arith.constant 64 : index
      %swap3A_81 = tpu.vector_load %arg5[%swap3A_79, %swap3A_80] {strides = array<i32>} : memref<104x128xi32, #tpu.memory_space<vmem>>, vector<16xi32>,
      tpu.vector_store %arg5[%swap3A_79, %swap3A_80], %add3A_78 {strides = array<i32>} : memref<104x128xi32, #tpu.memory_space<vmem>>, vector<16xi32>,
      %add3A_82 = arith.constant 464 : i32
      %add3A_83 = vector.broadcast %add3A_82 : i32 to vector<16xi32>
      %add3A_84 = arith.addi %add3A_83, %iota3A : vector<16xi32>
      %gather3A_85 = tpu.vector_load_idx %arg4[%add3A_84, %add3A_38] : memref<512x26xi32, #tpu.memory_space<vmem>>[vector<16xi32>, vector<16xi32>], vector<16xi32>,
      %add3A_86 = vector.broadcast %mul3A_36 : i32 to vector<16xi32>
      %add3A_87 = arith.addi %gather3A_85, %add3A_86 : vector<16xi32>
      %swap3A_88 = arith.index_cast %add3A_34 : i32 to index
      %swap3A_89 = arith.constant 80 : index
      %swap3A_90 = tpu.vector_load %arg5[%swap3A_88, %swap3A_89] {strides = array<i32>} : memref<104x128xi32, #tpu.memory_space<vmem>>, vector<16xi32>,
      tpu.vector_store %arg5[%swap3A_88, %swap3A_89], %add3A_87 {strides = array<i32>} : memref<104x128xi32, #tpu.memory_space<vmem>>, vector<16xi32>,
      %add3A_91 = arith.constant 480 : i32
      %add3A_92 = vector.broadcast %add3A_91 : i32 to vector<16xi32>
      %add3A_93 = arith.addi %add3A_92, %iota3A : vector<16xi32>
      %gather3A_94 = tpu.vector_load_idx %arg4[%add3A_93, %add3A_38] : memref<512x26xi32, #tpu.memory_space<vmem>>[vector<16xi32>, vector<16xi32>], vector<16xi32>,
      %add3A_95 = vector.broadcast %mul3A_36 : i32 to vector<16xi32>
      %add3A_96 = arith.addi %gather3A_94, %add3A_95 : vector<16xi32>
      %swap3A_97 = arith.index_cast %add3A_34 : i32 to index
      %swap3A_98 = arith.constant 96 : index
      %swap3A_99 = tpu.vector_load %arg5[%swap3A_97, %swap3A_98] {strides = array<i32>} : memref<104x128xi32, #tpu.memory_space<vmem>>, vector<16xi32>,
      tpu.vector_store %arg5[%swap3A_97, %swap3A_98], %add3A_96 {strides = array<i32>} : memref<104x128xi32, #tpu.memory_space<vmem>>, vector<16xi32>,
      %add3A_100 = arith.constant 496 : i32
      %add3A_101 = vector.broadcast %add3A_100 : i32 to vector<16xi32>
      %add3A_102 = arith.addi %add3A_101, %iota3A : vector<16xi32>
      %gather3A_103 = tpu.vector_load_idx %arg4[%add3A_102, %add3A_38] : memref<512x26xi32, #tpu.memory_space<vmem>>[vector<16xi32>, vector<16xi32>], vector<16xi32>,
      %add3A_104 = vector.broadcast %mul3A_36 : i32 to vector<16xi32>
      %add3A_105 = arith.addi %gather3A_103, %add3A_104 : vector<16xi32>
      %swap3A_106 = arith.index_cast %add3A_34 : i32 to index
      %swap3A_107 = arith.constant 112 : index
      %swap3A_108 = tpu.vector_load %arg5[%swap3A_106, %swap3A_107] {strides = array<i32>} : memref<104x128xi32, #tpu.memory_space<vmem>>, vector<16xi32>,
      tpu.vector_store %arg5[%swap3A_106, %swap3A_107], %add3A_105 {strides = array<i32>} : memref<104x128xi32, #tpu.memory_space<vmem>>, vector<16xi32>,
      %scan3A_109 = arith.constant 0 : i32
      scf.yield %scan3A_109 : i32
    }
    %scan3A_30 = arith.constant 26 : i32
    "tpu.region"() ({
      %run_scoped3A = tpu.sem_alloc : memref<!tpu.dma_semaphore, #tpu.memory_space<semaphore_mem>>
      %dma_start3A = arith.constant 0 : i32
      %dma_start3A_31 = arith.constant 0 : i32
      %dma_start3A_32 = tpu.memref_slice %arg3[%add3A, %dma_start3A, %dma_start3A_31] : memref<32x104x128xi32, #tpu.memory_space<hbm>> -> memref<1x104x128xi32, #tpu.memory_space<hbm>>
      %dma_start3A_33 = tpu.memref_squeeze %dma_start3A_32 : memref<1x104x128xi32, #tpu.memory_space<hbm>> -> memref<104x128xi32, #tpu.memory_space<hbm>>
      %dma_start3A_34 = arith.constant 0 : i32
      %dma_start3A_35 = arith.constant 0 : i32
      %dma_start3A_36 = tpu.memref_slice %arg3[%add3A, %dma_start3A_34, %dma_start3A_35] : memref<32x104x128xi32, #tpu.memory_space<hbm>> -> memref<1x104x128xi32, #tpu.memory_space<hbm>>
      %dma_start3A_37 = tpu.memref_squeeze %dma_start3A_36 : memref<1x104x128xi32, #tpu.memory_space<hbm>> -> memref<104x128xi32, #tpu.memory_space<hbm>>
      tpu.enqueue_dma source(%arg5 : memref<104x128xi32, #tpu.memory_space<vmem>>) target(%dma_start3A_37 : memref<104x128xi32, #tpu.memory_space<hbm>>) target_semaphore(%run_scoped3A : memref<!tpu.dma_semaphore, #tpu.memory_space<semaphore_mem>>)
      %dma_wait3A = arith.constant 0 : i32
      %dma_wait3A_38 = arith.constant 0 : i32
      %dma_wait3A_39 = tpu.memref_slice %arg3[%add3A, %dma_wait3A, %dma_wait3A_38] : memref<32x104x128xi32, #tpu.memory_space<hbm>> -> memref<1x104x128xi32, #tpu.memory_space<hbm>>
      %dma_wait3A_40 = tpu.memref_squeeze %dma_wait3A_39 : memref<1x104x128xi32, #tpu.memory_space<hbm>> -> memref<104x128xi32, #tpu.memory_space<hbm>>
      %dma_wait3A_41 = arith.constant 0 : i32
      %dma_wait3A_42 = arith.constant 0 : i32
      %dma_wait3A_43 = tpu.memref_slice %arg3[%add3A, %dma_wait3A_41, %dma_wait3A_42] : memref<32x104x128xi32, #tpu.memory_space<hbm>> -> memref<1x104x128xi32, #tpu.memory_space<hbm>>
      %dma_wait3A_44 = tpu.memref_squeeze %dma_wait3A_43 : memref<1x104x128xi32, #tpu.memory_space<hbm>> -> memref<104x128xi32, #tpu.memory_space<hbm>>
      tpu.wait_dma2 semaphore(%run_scoped3A : memref<!tpu.dma_semaphore, #tpu.memory_space<semaphore_mem>>) src(%arg5 : memref<104x128xi32, #tpu.memory_space<vmem>>) dst(%dma_wait3A_44 : memref<104x128xi32, #tpu.memory_space<hbm>>)
      tpu.yield
    }) : () -> ()
    return
  }
}

#map = affine_map<(d0, d1) -> (0, 0, 0)>
#map1 = affine_map<(d0, d1) -> (0)>
module attributes {stable_mosaic.version = 14 : i64} {
  func.func @_gather_sum(%arg0: i32, %arg1: i32, %arg2: memref<32x104x128xi32, #tpu.memory_space<hbm>>, %arg3: memref<2600000xf32, #tpu.memory_space<hbm>>, %arg4: memref<16384xf32, #tpu.memory_space<hbm>>, %arg5: memref<104x128xi32, #tpu.memory_space<vmem>>, %arg6: memref<104x128xf32, #tpu.memory_space<vmem>>, %arg7: memref<512xf32, #tpu.memory_space<vmem>>, %arg8: memref<!tpu.dma_semaphore, #tpu.memory_space<semaphore_mem>>) attributes {dimension_semantics = [#tpu.dimension_semantics<core_parallel>, #tpu.dimension_semantics<subcore_parallel>], iteration_bounds = array<i64: 2, 16>, scalar_prefetch = 0 : i64, scratch_operands = 4 : i64, tpu.core_type = #tpu.core_type<sc_vector_subcore>, window_params = [{transform_indices = #map}, {transform_indices = #map1}, {transform_indices = #map1}]} {
    %mul3A = arith.constant 2 : i32
    %mul3A_0 = arith.muli %arg1, %mul3A : i32
    %add3A = arith.addi %mul3A_0, %arg0 : i32
    "tpu.region"() ({
      %run_scoped3A = tpu.sem_alloc : memref<!tpu.dma_semaphore, #tpu.memory_space<semaphore_mem>>
      %dma_start3A = arith.constant 0 : i32
      %dma_start3A_166 = arith.constant 0 : i32
      %dma_start3A_167 = tpu.memref_slice %arg2[%add3A, %dma_start3A, %dma_start3A_166] : memref<32x104x128xi32, #tpu.memory_space<hbm>> -> memref<1x104x128xi32, #tpu.memory_space<hbm>>
      %dma_start3A_168 = tpu.memref_squeeze %dma_start3A_167 : memref<1x104x128xi32, #tpu.memory_space<hbm>> -> memref<104x128xi32, #tpu.memory_space<hbm>>
      %dma_start3A_169 = arith.constant 0 : i32
      %dma_start3A_170 = arith.constant 0 : i32
      %dma_start3A_171 = tpu.memref_slice %arg2[%add3A, %dma_start3A_169, %dma_start3A_170] : memref<32x104x128xi32, #tpu.memory_space<hbm>> -> memref<1x104x128xi32, #tpu.memory_space<hbm>>
      %dma_start3A_172 = tpu.memref_squeeze %dma_start3A_171 : memref<1x104x128xi32, #tpu.memory_space<hbm>> -> memref<104x128xi32, #tpu.memory_space<hbm>>
      tpu.enqueue_dma source(%dma_start3A_172 : memref<104x128xi32, #tpu.memory_space<hbm>>) target(%arg5 : memref<104x128xi32, #tpu.memory_space<vmem>>) target_semaphore(%run_scoped3A : memref<!tpu.dma_semaphore, #tpu.memory_space<semaphore_mem>>)
      %dma_wait3A = arith.constant 0 : i32
      %dma_wait3A_173 = arith.constant 0 : i32
      %dma_wait3A_174 = tpu.memref_slice %arg2[%add3A, %dma_wait3A, %dma_wait3A_173] : memref<32x104x128xi32, #tpu.memory_space<hbm>> -> memref<1x104x128xi32, #tpu.memory_space<hbm>>
      %dma_wait3A_175 = tpu.memref_squeeze %dma_wait3A_174 : memref<1x104x128xi32, #tpu.memory_space<hbm>> -> memref<104x128xi32, #tpu.memory_space<hbm>>
      %dma_wait3A_176 = arith.constant 0 : i32
      %dma_wait3A_177 = arith.constant 0 : i32
      %dma_wait3A_178 = tpu.memref_slice %arg2[%add3A, %dma_wait3A_176, %dma_wait3A_177] : memref<32x104x128xi32, #tpu.memory_space<hbm>> -> memref<1x104x128xi32, #tpu.memory_space<hbm>>
      %dma_wait3A_179 = tpu.memref_squeeze %dma_wait3A_178 : memref<1x104x128xi32, #tpu.memory_space<hbm>> -> memref<104x128xi32, #tpu.memory_space<hbm>>
      tpu.wait_dma2 semaphore(%run_scoped3A : memref<!tpu.dma_semaphore, #tpu.memory_space<semaphore_mem>>) src(%dma_wait3A_179 : memref<104x128xi32, #tpu.memory_space<hbm>>) dst(%arg5 : memref<104x128xi32, #tpu.memory_space<vmem>>)
      tpu.yield
    }) : () -> ()
    %scan3A = arith.constant 0 : i32
    %scan3A_1 = arith.constant 0 : i32
    %scan3A_2 = arith.constant 104 : i32
    %scan3A_3 = arith.addi %scan3A_1, %scan3A_2 : i32
    %scan3A_4 = arith.constant 1 : i32
    %scan3A_5 = scf.for %scan3A_166 = %scan3A_1 to %scan3A_3 step %scan3A_4 iter_args(%scan3A_167 = %scan3A) -> (i32)  : i32 {
      %dma_start3A = arith.constant 0 : i32
      %dma_start3A_168 = tpu.memref_slice %arg6[%scan3A_166, %dma_start3A] : memref<104x128xf32, #tpu.memory_space<vmem>> -> memref<1x128xf32, #tpu.memory_space<vmem>>
      %dma_start3A_169 = tpu.memref_squeeze %dma_start3A_168 : memref<1x128xf32, #tpu.memory_space<vmem>> -> memref<128xf32, #tpu.memory_space<vmem>>
      %dma_start3A_170 = arith.constant 0 : i32
      %dma_start3A_171 = tpu.memref_slice %arg5[%scan3A_166, %dma_start3A_170] : memref<104x128xi32, #tpu.memory_space<vmem>> -> memref<1x128xi32, #tpu.memory_space<vmem>>
      %dma_start3A_172 = tpu.memref_squeeze %dma_start3A_171 : memref<1x128xi32, #tpu.memory_space<vmem>> -> memref<128xi32, #tpu.memory_space<vmem>>
      %dma_start3A_173 = arith.constant 0 : i32
      %dma_start3A_174 = tpu.memref_slice %arg3[%dma_start3A_173] : memref<2600000xf32, #tpu.memory_space<hbm>> -> memref<2600000xf32, #tpu.memory_space<hbm>>
      tpu.enqueue_indirect_dma source(%dma_start3A_174 : memref<2600000xf32, #tpu.memory_space<hbm>>) target(%dma_start3A_169 : memref<128xf32, #tpu.memory_space<vmem>>) offsets(%dma_start3A_172 : memref<128xi32, #tpu.memory_space<vmem>>) semaphore(%arg8 : memref<!tpu.dma_semaphore, #tpu.memory_space<semaphore_mem>>)
      %scan3A_175 = arith.constant 0 : i32
      scf.yield %scan3A_175 : i32
    }
    %scan3A_6 = arith.constant 104 : i32
    %scan3A_7 = arith.constant 0 : i32
    %scan3A_8 = arith.constant 0 : i32
    %scan3A_9 = arith.constant 104 : i32
    %scan3A_10 = arith.addi %scan3A_8, %scan3A_9 : i32
    %scan3A_11 = arith.constant 1 : i32
    %scan3A_12 = scf.for %scan3A_166 = %scan3A_8 to %scan3A_10 step %scan3A_11 iter_args(%scan3A_167 = %scan3A_7) -> (i32)  : i32 {
      %dma_wait3A = arith.constant 0 : i32
      %dma_wait3A_168 = tpu.memref_slice %arg6[%scan3A_166, %dma_wait3A] : memref<104x128xf32, #tpu.memory_space<vmem>> -> memref<1x128xf32, #tpu.memory_space<vmem>>
      %dma_wait3A_169 = tpu.memref_squeeze %dma_wait3A_168 : memref<1x128xf32, #tpu.memory_space<vmem>> -> memref<128xf32, #tpu.memory_space<vmem>>
      %dma_wait3A_170 = arith.constant 0 : i32
      %dma_wait3A_171 = tpu.memref_slice %arg5[%scan3A_166, %dma_wait3A_170] : memref<104x128xi32, #tpu.memory_space<vmem>> -> memref<1x128xi32, #tpu.memory_space<vmem>>
      %dma_wait3A_172 = tpu.memref_squeeze %dma_wait3A_171 : memref<1x128xi32, #tpu.memory_space<vmem>> -> memref<128xi32, #tpu.memory_space<vmem>>
      %dma_wait3A_173 = arith.constant 0 : i32
      %dma_wait3A_174 = tpu.memref_slice %arg3[%dma_wait3A_173] : memref<2600000xf32, #tpu.memory_space<hbm>> -> memref<2600000xf32, #tpu.memory_space<hbm>>
      tpu.wait_indirect_dma semaphore(%arg8 : memref<!tpu.dma_semaphore, #tpu.memory_space<semaphore_mem>>) src(%dma_wait3A_174 : memref<2600000xf32, #tpu.memory_space<hbm>>) dst(%dma_wait3A_169 : memref<128xf32, #tpu.memory_space<vmem>>)
      %scan3A_175 = arith.constant 0 : i32
      scf.yield %scan3A_175 : i32
    }
    %scan3A_13 = arith.constant 104 : i32
    %broadcast_in_dim3A = arith.constant 0.000000e+00 : f32
    %broadcast_in_dim3A_14 = vector.broadcast %broadcast_in_dim3A : f32 to vector<16xf32>
    %broadcast_in_dim3A_15 = arith.constant 0.000000e+00 : f32
    %broadcast_in_dim3A_16 = vector.broadcast %broadcast_in_dim3A_15 : f32 to vector<16xf32>
    %broadcast_in_dim3A_17 = arith.constant 0.000000e+00 : f32
    %broadcast_in_dim3A_18 = vector.broadcast %broadcast_in_dim3A_17 : f32 to vector<16xf32>
    %broadcast_in_dim3A_19 = arith.constant 0.000000e+00 : f32
    %broadcast_in_dim3A_20 = vector.broadcast %broadcast_in_dim3A_19 : f32 to vector<16xf32>
    %broadcast_in_dim3A_21 = arith.constant 0.000000e+00 : f32
    %broadcast_in_dim3A_22 = vector.broadcast %broadcast_in_dim3A_21 : f32 to vector<16xf32>
    %broadcast_in_dim3A_23 = arith.constant 0.000000e+00 : f32
    %broadcast_in_dim3A_24 = vector.broadcast %broadcast_in_dim3A_23 : f32 to vector<16xf32>
    %broadcast_in_dim3A_25 = arith.constant 0.000000e+00 : f32
    %broadcast_in_dim3A_26 = vector.broadcast %broadcast_in_dim3A_25 : f32 to vector<16xf32>
    %broadcast_in_dim3A_27 = arith.constant 0.000000e+00 : f32
    %broadcast_in_dim3A_28 = vector.broadcast %broadcast_in_dim3A_27 : f32 to vector<16xf32>
    %scan3A_29 = arith.constant 0 : i32
    %scan3A_30 = arith.constant 26 : i32
    %scan3A_31 = arith.addi %scan3A_29, %scan3A_30 : i32
    %scan3A_32 = arith.constant 1 : i32
    %scan3A_33:8 = scf.for %scan3A_166 = %scan3A_29 to %scan3A_31 step %scan3A_32 iter_args(%scan3A_167 = %broadcast_in_dim3A_14, %scan3A_168 = %broadcast_in_dim3A_16, %scan3A_169 = %broadcast_in_dim3A_18, %scan3A_170 = %broadcast_in_dim3A_20, %scan3A_171 = %broadcast_in_dim3A_22, %scan3A_172 = %broadcast_in_dim3A_24, %scan3A_173 = %broadcast_in_dim3A_26, %scan3A_174 = %broadcast_in_dim3A_28) -> (vector<16xf32>, vector<16xf32>, vector<16xf32>, vector<16xf32>, vector<16xf32>, vector<16xf32>, vector<16xf32>, vector<16xf32>)  : i32 {
      %add3A_175 = arith.constant 0 : i32
      %add3A_176 = arith.addi %add3A_175, %scan3A_166 : i32
      %get3A = arith.constant 0 : i32
      %get3A_177 = tpu.memref_slice %arg6[%add3A_176, %get3A] : memref<104x128xf32, #tpu.memory_space<vmem>> -> memref<1x128xf32, #tpu.memory_space<vmem>>
      %get3A_178 = tpu.memref_squeeze %get3A_177 : memref<1x128xf32, #tpu.memory_space<vmem>> -> memref<128xf32, #tpu.memory_space<vmem>>
      %get3A_179 = arith.constant 0 : index
      %get3A_180 = tpu.vector_load %get3A_178[%get3A_179] {strides = array<i32>} : memref<128xf32, #tpu.memory_space<vmem>>, vector<16xf32>,
      %add3A_181 = arith.addf %scan3A_167, %get3A_180 : vector<16xf32>
      %get3A_182 = arith.constant 0 : i32
      %get3A_183 = tpu.memref_slice %arg6[%add3A_176, %get3A_182] : memref<104x128xf32, #tpu.memory_space<vmem>> -> memref<1x128xf32, #tpu.memory_space<vmem>>
      %get3A_184 = tpu.memref_squeeze %get3A_183 : memref<1x128xf32, #tpu.memory_space<vmem>> -> memref<128xf32, #tpu.memory_space<vmem>>
      %get3A_185 = arith.constant 16 : index
      %get3A_186 = tpu.vector_load %get3A_184[%get3A_185] {strides = array<i32>} : memref<128xf32, #tpu.memory_space<vmem>>, vector<16xf32>,
      %add3A_187 = arith.addf %scan3A_168, %get3A_186 : vector<16xf32>
      %get3A_188 = arith.constant 0 : i32
      %get3A_189 = tpu.memref_slice %arg6[%add3A_176, %get3A_188] : memref<104x128xf32, #tpu.memory_space<vmem>> -> memref<1x128xf32, #tpu.memory_space<vmem>>
      %get3A_190 = tpu.memref_squeeze %get3A_189 : memref<1x128xf32, #tpu.memory_space<vmem>> -> memref<128xf32, #tpu.memory_space<vmem>>
      %get3A_191 = arith.constant 32 : index
      %get3A_192 = tpu.vector_load %get3A_190[%get3A_191] {strides = array<i32>} : memref<128xf32, #tpu.memory_space<vmem>>, vector<16xf32>,
      %add3A_193 = arith.addf %scan3A_169, %get3A_192 : vector<16xf32>
      %get3A_194 = arith.constant 0 : i32
      %get3A_195 = tpu.memref_slice %arg6[%add3A_176, %get3A_194] : memref<104x128xf32, #tpu.memory_space<vmem>> -> memref<1x128xf32, #tpu.memory_space<vmem>>
      %get3A_196 = tpu.memref_squeeze %get3A_195 : memref<1x128xf32, #tpu.memory_space<vmem>> -> memref<128xf32, #tpu.memory_space<vmem>>
      %get3A_197 = arith.constant 48 : index
      %get3A_198 = tpu.vector_load %get3A_196[%get3A_197] {strides = array<i32>} : memref<128xf32, #tpu.memory_space<vmem>>, vector<16xf32>,
      %add3A_199 = arith.addf %scan3A_170, %get3A_198 : vector<16xf32>
      %get3A_200 = arith.constant 0 : i32
      %get3A_201 = tpu.memref_slice %arg6[%add3A_176, %get3A_200] : memref<104x128xf32, #tpu.memory_space<vmem>> -> memref<1x128xf32, #tpu.memory_space<vmem>>
      %get3A_202 = tpu.memref_squeeze %get3A_201 : memref<1x128xf32, #tpu.memory_space<vmem>> -> memref<128xf32, #tpu.memory_space<vmem>>
      %get3A_203 = arith.constant 64 : index
      %get3A_204 = tpu.vector_load %get3A_202[%get3A_203] {strides = array<i32>} : memref<128xf32, #tpu.memory_space<vmem>>, vector<16xf32>,
      %add3A_205 = arith.addf %scan3A_171, %get3A_204 : vector<16xf32>
      %get3A_206 = arith.constant 0 : i32
      %get3A_207 = tpu.memref_slice %arg6[%add3A_176, %get3A_206] : memref<104x128xf32, #tpu.memory_space<vmem>> -> memref<1x128xf32, #tpu.memory_space<vmem>>
      %get3A_208 = tpu.memref_squeeze %get3A_207 : memref<1x128xf32, #tpu.memory_space<vmem>> -> memref<128xf32, #tpu.memory_space<vmem>>
      %get3A_209 = arith.constant 80 : index
      %get3A_210 = tpu.vector_load %get3A_208[%get3A_209] {strides = array<i32>} : memref<128xf32, #tpu.memory_space<vmem>>, vector<16xf32>,
      %add3A_211 = arith.addf %scan3A_172, %get3A_210 : vector<16xf32>
      %get3A_212 = arith.constant 0 : i32
      %get3A_213 = tpu.memref_slice %arg6[%add3A_176, %get3A_212] : memref<104x128xf32, #tpu.memory_space<vmem>> -> memref<1x128xf32, #tpu.memory_space<vmem>>
      %get3A_214 = tpu.memref_squeeze %get3A_213 : memref<1x128xf32, #tpu.memory_space<vmem>> -> memref<128xf32, #tpu.memory_space<vmem>>
      %get3A_215 = arith.constant 96 : index
      %get3A_216 = tpu.vector_load %get3A_214[%get3A_215] {strides = array<i32>} : memref<128xf32, #tpu.memory_space<vmem>>, vector<16xf32>,
      %add3A_217 = arith.addf %scan3A_173, %get3A_216 : vector<16xf32>
      %get3A_218 = arith.constant 0 : i32
      %get3A_219 = tpu.memref_slice %arg6[%add3A_176, %get3A_218] : memref<104x128xf32, #tpu.memory_space<vmem>> -> memref<1x128xf32, #tpu.memory_space<vmem>>
      %get3A_220 = tpu.memref_squeeze %get3A_219 : memref<1x128xf32, #tpu.memory_space<vmem>> -> memref<128xf32, #tpu.memory_space<vmem>>
      %get3A_221 = arith.constant 112 : index
      %get3A_222 = tpu.vector_load %get3A_220[%get3A_221] {strides = array<i32>} : memref<128xf32, #tpu.memory_space<vmem>>, vector<16xf32>,
      %add3A_223 = arith.addf %scan3A_174, %get3A_222 : vector<16xf32>
      scf.yield %add3A_181, %add3A_187, %add3A_193, %add3A_199, %add3A_205, %add3A_211, %add3A_217, %add3A_223 : vector<16xf32>, vector<16xf32>, vector<16xf32>, vector<16xf32>, vector<16xf32>, vector<16xf32>, vector<16xf32>, vector<16xf32>
    }
    %scan3A_34 = arith.constant 26 : i32
    %swap3A = arith.constant 0 : index
    %swap3A_35 = tpu.vector_load %arg7[%swap3A] {strides = array<i32>} : memref<512xf32, #tpu.memory_space<vmem>>, vector<16xf32>,
    tpu.vector_store %arg7[%swap3A], %scan3A_33#0 {strides = array<i32>} : memref<512xf32, #tpu.memory_space<vmem>>, vector<16xf32>,
    %swap3A_36 = arith.constant 16 : index
    %swap3A_37 = tpu.vector_load %arg7[%swap3A_36] {strides = array<i32>} : memref<512xf32, #tpu.memory_space<vmem>>, vector<16xf32>,
    tpu.vector_store %arg7[%swap3A_36], %scan3A_33#1 {strides = array<i32>} : memref<512xf32, #tpu.memory_space<vmem>>, vector<16xf32>,
    %swap3A_38 = arith.constant 32 : index
    %swap3A_39 = tpu.vector_load %arg7[%swap3A_38] {strides = array<i32>} : memref<512xf32, #tpu.memory_space<vmem>>, vector<16xf32>,
    tpu.vector_store %arg7[%swap3A_38], %scan3A_33#2 {strides = array<i32>} : memref<512xf32, #tpu.memory_space<vmem>>, vector<16xf32>,
    %swap3A_40 = arith.constant 48 : index
    %swap3A_41 = tpu.vector_load %arg7[%swap3A_40] {strides = array<i32>} : memref<512xf32, #tpu.memory_space<vmem>>, vector<16xf32>,
    tpu.vector_store %arg7[%swap3A_40], %scan3A_33#3 {strides = array<i32>} : memref<512xf32, #tpu.memory_space<vmem>>, vector<16xf32>,
    %swap3A_42 = arith.constant 64 : index
    %swap3A_43 = tpu.vector_load %arg7[%swap3A_42] {strides = array<i32>} : memref<512xf32, #tpu.memory_space<vmem>>, vector<16xf32>,
    tpu.vector_store %arg7[%swap3A_42], %scan3A_33#4 {strides = array<i32>} : memref<512xf32, #tpu.memory_space<vmem>>, vector<16xf32>,
    %swap3A_44 = arith.constant 80 : index
    %swap3A_45 = tpu.vector_load %arg7[%swap3A_44] {strides = array<i32>} : memref<512xf32, #tpu.memory_space<vmem>>, vector<16xf32>,
    tpu.vector_store %arg7[%swap3A_44], %scan3A_33#5 {strides = array<i32>} : memref<512xf32, #tpu.memory_space<vmem>>, vector<16xf32>,
    %swap3A_46 = arith.constant 96 : index
    %swap3A_47 = tpu.vector_load %arg7[%swap3A_46] {strides = array<i32>} : memref<512xf32, #tpu.memory_space<vmem>>, vector<16xf32>,
    tpu.vector_store %arg7[%swap3A_46], %scan3A_33#6 {strides = array<i32>} : memref<512xf32, #tpu.memory_space<vmem>>, vector<16xf32>,
    %swap3A_48 = arith.constant 112 : index
    %swap3A_49 = tpu.vector_load %arg7[%swap3A_48] {strides = array<i32>} : memref<512xf32, #tpu.memory_space<vmem>>, vector<16xf32>,
    tpu.vector_store %arg7[%swap3A_48], %scan3A_33#7 {strides = array<i32>} : memref<512xf32, #tpu.memory_space<vmem>>, vector<16xf32>,
    %broadcast_in_dim3A_50 = arith.constant 0.000000e+00 : f32
    %broadcast_in_dim3A_51 = vector.broadcast %broadcast_in_dim3A_50 : f32 to vector<16xf32>
    %broadcast_in_dim3A_52 = arith.constant 0.000000e+00 : f32
    %broadcast_in_dim3A_53 = vector.broadcast %broadcast_in_dim3A_52 : f32 to vector<16xf32>
    %broadcast_in_dim3A_54 = arith.constant 0.000000e+00 : f32
    %broadcast_in_dim3A_55 = vector.broadcast %broadcast_in_dim3A_54 : f32 to vector<16xf32>
    %broadcast_in_dim3A_56 = arith.constant 0.000000e+00 : f32
    %broadcast_in_dim3A_57 = vector.broadcast %broadcast_in_dim3A_56 : f32 to vector<16xf32>
    %broadcast_in_dim3A_58 = arith.constant 0.000000e+00 : f32
    %broadcast_in_dim3A_59 = vector.broadcast %broadcast_in_dim3A_58 : f32 to vector<16xf32>
    %broadcast_in_dim3A_60 = arith.constant 0.000000e+00 : f32
    %broadcast_in_dim3A_61 = vector.broadcast %broadcast_in_dim3A_60 : f32 to vector<16xf32>
    %broadcast_in_dim3A_62 = arith.constant 0.000000e+00 : f32
    %broadcast_in_dim3A_63 = vector.broadcast %broadcast_in_dim3A_62 : f32 to vector<16xf32>
    %broadcast_in_dim3A_64 = arith.constant 0.000000e+00 : f32
    %broadcast_in_dim3A_65 = vector.broadcast %broadcast_in_dim3A_64 : f32 to vector<16xf32>
    %scan3A_66 = arith.constant 0 : i32
    %scan3A_67 = arith.constant 26 : i32
    %scan3A_68 = arith.addi %scan3A_66, %scan3A_67 : i32
    %scan3A_69 = arith.constant 1 : i32
    %scan3A_70:8 = scf.for %scan3A_166 = %scan3A_66 to %scan3A_68 step %scan3A_69 iter_args(%scan3A_167 = %broadcast_in_dim3A_51, %scan3A_168 = %broadcast_in_dim3A_53, %scan3A_169 = %broadcast_in_dim3A_55, %scan3A_170 = %broadcast_in_dim3A_57, %scan3A_171 = %broadcast_in_dim3A_59, %scan3A_172 = %broadcast_in_dim3A_61, %scan3A_173 = %broadcast_in_dim3A_63, %scan3A_174 = %broadcast_in_dim3A_65) -> (vector<16xf32>, vector<16xf32>, vector<16xf32>, vector<16xf32>, vector<16xf32>, vector<16xf32>, vector<16xf32>, vector<16xf32>)  : i32 {
      %add3A_175 = arith.constant 26 : i32
      %add3A_176 = arith.addi %add3A_175, %scan3A_166 : i32
      %get3A = arith.constant 0 : i32
      %get3A_177 = tpu.memref_slice %arg6[%add3A_176, %get3A] : memref<104x128xf32, #tpu.memory_space<vmem>> -> memref<1x128xf32, #tpu.memory_space<vmem>>
      %get3A_178 = tpu.memref_squeeze %get3A_177 : memref<1x128xf32, #tpu.memory_space<vmem>> -> memref<128xf32, #tpu.memory_space<vmem>>
      %get3A_179 = arith.constant 0 : index
      %get3A_180 = tpu.vector_load %get3A_178[%get3A_179] {strides = array<i32>} : memref<128xf32, #tpu.memory_space<vmem>>, vector<16xf32>,
      %add3A_181 = arith.addf %scan3A_167, %get3A_180 : vector<16xf32>
      %get3A_182 = arith.constant 0 : i32
      %get3A_183 = tpu.memref_slice %arg6[%add3A_176, %get3A_182] : memref<104x128xf32, #tpu.memory_space<vmem>> -> memref<1x128xf32, #tpu.memory_space<vmem>>
      %get3A_184 = tpu.memref_squeeze %get3A_183 : memref<1x128xf32, #tpu.memory_space<vmem>> -> memref<128xf32, #tpu.memory_space<vmem>>
      %get3A_185 = arith.constant 16 : index
      %get3A_186 = tpu.vector_load %get3A_184[%get3A_185] {strides = array<i32>} : memref<128xf32, #tpu.memory_space<vmem>>, vector<16xf32>,
      %add3A_187 = arith.addf %scan3A_168, %get3A_186 : vector<16xf32>
      %get3A_188 = arith.constant 0 : i32
      %get3A_189 = tpu.memref_slice %arg6[%add3A_176, %get3A_188] : memref<104x128xf32, #tpu.memory_space<vmem>> -> memref<1x128xf32, #tpu.memory_space<vmem>>
      %get3A_190 = tpu.memref_squeeze %get3A_189 : memref<1x128xf32, #tpu.memory_space<vmem>> -> memref<128xf32, #tpu.memory_space<vmem>>
      %get3A_191 = arith.constant 32 : index
      %get3A_192 = tpu.vector_load %get3A_190[%get3A_191] {strides = array<i32>} : memref<128xf32, #tpu.memory_space<vmem>>, vector<16xf32>,
      %add3A_193 = arith.addf %scan3A_169, %get3A_192 : vector<16xf32>
      %get3A_194 = arith.constant 0 : i32
      %get3A_195 = tpu.memref_slice %arg6[%add3A_176, %get3A_194] : memref<104x128xf32, #tpu.memory_space<vmem>> -> memref<1x128xf32, #tpu.memory_space<vmem>>
      %get3A_196 = tpu.memref_squeeze %get3A_195 : memref<1x128xf32, #tpu.memory_space<vmem>> -> memref<128xf32, #tpu.memory_space<vmem>>
      %get3A_197 = arith.constant 48 : index
      %get3A_198 = tpu.vector_load %get3A_196[%get3A_197] {strides = array<i32>} : memref<128xf32, #tpu.memory_space<vmem>>, vector<16xf32>,
      %add3A_199 = arith.addf %scan3A_170, %get3A_198 : vector<16xf32>
      %get3A_200 = arith.constant 0 : i32
      %get3A_201 = tpu.memref_slice %arg6[%add3A_176, %get3A_200] : memref<104x128xf32, #tpu.memory_space<vmem>> -> memref<1x128xf32, #tpu.memory_space<vmem>>
      %get3A_202 = tpu.memref_squeeze %get3A_201 : memref<1x128xf32, #tpu.memory_space<vmem>> -> memref<128xf32, #tpu.memory_space<vmem>>
      %get3A_203 = arith.constant 64 : index
      %get3A_204 = tpu.vector_load %get3A_202[%get3A_203] {strides = array<i32>} : memref<128xf32, #tpu.memory_space<vmem>>, vector<16xf32>,
      %add3A_205 = arith.addf %scan3A_171, %get3A_204 : vector<16xf32>
      %get3A_206 = arith.constant 0 : i32
      %get3A_207 = tpu.memref_slice %arg6[%add3A_176, %get3A_206] : memref<104x128xf32, #tpu.memory_space<vmem>> -> memref<1x128xf32, #tpu.memory_space<vmem>>
      %get3A_208 = tpu.memref_squeeze %get3A_207 : memref<1x128xf32, #tpu.memory_space<vmem>> -> memref<128xf32, #tpu.memory_space<vmem>>
      %get3A_209 = arith.constant 80 : index
      %get3A_210 = tpu.vector_load %get3A_208[%get3A_209] {strides = array<i32>} : memref<128xf32, #tpu.memory_space<vmem>>, vector<16xf32>,
      %add3A_211 = arith.addf %scan3A_172, %get3A_210 : vector<16xf32>
      %get3A_212 = arith.constant 0 : i32
      %get3A_213 = tpu.memref_slice %arg6[%add3A_176, %get3A_212] : memref<104x128xf32, #tpu.memory_space<vmem>> -> memref<1x128xf32, #tpu.memory_space<vmem>>
      %get3A_214 = tpu.memref_squeeze %get3A_213 : memref<1x128xf32, #tpu.memory_space<vmem>> -> memref<128xf32, #tpu.memory_space<vmem>>
      %get3A_215 = arith.constant 96 : index
      %get3A_216 = tpu.vector_load %get3A_214[%get3A_215] {strides = array<i32>} : memref<128xf32, #tpu.memory_space<vmem>>, vector<16xf32>,
      %add3A_217 = arith.addf %scan3A_173, %get3A_216 : vector<16xf32>
      %get3A_218 = arith.constant 0 : i32
      %get3A_219 = tpu.memref_slice %arg6[%add3A_176, %get3A_218] : memref<104x128xf32, #tpu.memory_space<vmem>> -> memref<1x128xf32, #tpu.memory_space<vmem>>
      %get3A_220 = tpu.memref_squeeze %get3A_219 : memref<1x128xf32, #tpu.memory_space<vmem>> -> memref<128xf32, #tpu.memory_space<vmem>>
      %get3A_221 = arith.constant 112 : index
      %get3A_222 = tpu.vector_load %get3A_220[%get3A_221] {strides = array<i32>} : memref<128xf32, #tpu.memory_space<vmem>>, vector<16xf32>,
      %add3A_223 = arith.addf %scan3A_174, %get3A_222 : vector<16xf32>
      scf.yield %add3A_181, %add3A_187, %add3A_193, %add3A_199, %add3A_205, %add3A_211, %add3A_217, %add3A_223 : vector<16xf32>, vector<16xf32>, vector<16xf32>, vector<16xf32>, vector<16xf32>, vector<16xf32>, vector<16xf32>, vector<16xf32>
    }
    %scan3A_71 = arith.constant 26 : i32
    %swap3A_72 = arith.constant 128 : index
    %swap3A_73 = tpu.vector_load %arg7[%swap3A_72] {strides = array<i32>} : memref<512xf32, #tpu.memory_space<vmem>>, vector<16xf32>,
    tpu.vector_store %arg7[%swap3A_72], %scan3A_70#0 {strides = array<i32>} : memref<512xf32, #tpu.memory_space<vmem>>, vector<16xf32>,
    %swap3A_74 = arith.constant 144 : index
    %swap3A_75 = tpu.vector_load %arg7[%swap3A_74] {strides = array<i32>} : memref<512xf32, #tpu.memory_space<vmem>>, vector<16xf32>,
    tpu.vector_store %arg7[%swap3A_74], %scan3A_70#1 {strides = array<i32>} : memref<512xf32, #tpu.memory_space<vmem>>, vector<16xf32>,
    %swap3A_76 = arith.constant 160 : index
    %swap3A_77 = tpu.vector_load %arg7[%swap3A_76] {strides = array<i32>} : memref<512xf32, #tpu.memory_space<vmem>>, vector<16xf32>,
    tpu.vector_store %arg7[%swap3A_76], %scan3A_70#2 {strides = array<i32>} : memref<512xf32, #tpu.memory_space<vmem>>, vector<16xf32>,
    %swap3A_78 = arith.constant 176 : index
    %swap3A_79 = tpu.vector_load %arg7[%swap3A_78] {strides = array<i32>} : memref<512xf32, #tpu.memory_space<vmem>>, vector<16xf32>,
    tpu.vector_store %arg7[%swap3A_78], %scan3A_70#3 {strides = array<i32>} : memref<512xf32, #tpu.memory_space<vmem>>, vector<16xf32>,
    %swap3A_80 = arith.constant 192 : index
    %swap3A_81 = tpu.vector_load %arg7[%swap3A_80] {strides = array<i32>} : memref<512xf32, #tpu.memory_space<vmem>>, vector<16xf32>,
    tpu.vector_store %arg7[%swap3A_80], %scan3A_70#4 {strides = array<i32>} : memref<512xf32, #tpu.memory_space<vmem>>, vector<16xf32>,
    %swap3A_82 = arith.constant 208 : index
    %swap3A_83 = tpu.vector_load %arg7[%swap3A_82] {strides = array<i32>} : memref<512xf32, #tpu.memory_space<vmem>>, vector<16xf32>,
    tpu.vector_store %arg7[%swap3A_82], %scan3A_70#5 {strides = array<i32>} : memref<512xf32, #tpu.memory_space<vmem>>, vector<16xf32>,
    %swap3A_84 = arith.constant 224 : index
    %swap3A_85 = tpu.vector_load %arg7[%swap3A_84] {strides = array<i32>} : memref<512xf32, #tpu.memory_space<vmem>>, vector<16xf32>,
    tpu.vector_store %arg7[%swap3A_84], %scan3A_70#6 {strides = array<i32>} : memref<512xf32, #tpu.memory_space<vmem>>, vector<16xf32>,
    %swap3A_86 = arith.constant 240 : index
    %swap3A_87 = tpu.vector_load %arg7[%swap3A_86] {strides = array<i32>} : memref<512xf32, #tpu.memory_space<vmem>>, vector<16xf32>,
    tpu.vector_store %arg7[%swap3A_86], %scan3A_70#7 {strides = array<i32>} : memref<512xf32, #tpu.memory_space<vmem>>, vector<16xf32>,
    %broadcast_in_dim3A_88 = arith.constant 0.000000e+00 : f32
    %broadcast_in_dim3A_89 = vector.broadcast %broadcast_in_dim3A_88 : f32 to vector<16xf32>
    %broadcast_in_dim3A_90 = arith.constant 0.000000e+00 : f32
    %broadcast_in_dim3A_91 = vector.broadcast %broadcast_in_dim3A_90 : f32 to vector<16xf32>
    %broadcast_in_dim3A_92 = arith.constant 0.000000e+00 : f32
    %broadcast_in_dim3A_93 = vector.broadcast %broadcast_in_dim3A_92 : f32 to vector<16xf32>
    %broadcast_in_dim3A_94 = arith.constant 0.000000e+00 : f32
    %broadcast_in_dim3A_95 = vector.broadcast %broadcast_in_dim3A_94 : f32 to vector<16xf32>
    %broadcast_in_dim3A_96 = arith.constant 0.000000e+00 : f32
    %broadcast_in_dim3A_97 = vector.broadcast %broadcast_in_dim3A_96 : f32 to vector<16xf32>
    %broadcast_in_dim3A_98 = arith.constant 0.000000e+00 : f32
    %broadcast_in_dim3A_99 = vector.broadcast %broadcast_in_dim3A_98 : f32 to vector<16xf32>
    %broadcast_in_dim3A_100 = arith.constant 0.000000e+00 : f32
    %broadcast_in_dim3A_101 = vector.broadcast %broadcast_in_dim3A_100 : f32 to vector<16xf32>
    %broadcast_in_dim3A_102 = arith.constant 0.000000e+00 : f32
    %broadcast_in_dim3A_103 = vector.broadcast %broadcast_in_dim3A_102 : f32 to vector<16xf32>
    %scan3A_104 = arith.constant 0 : i32
    %scan3A_105 = arith.constant 26 : i32
    %scan3A_106 = arith.addi %scan3A_104, %scan3A_105 : i32
    %scan3A_107 = arith.constant 1 : i32
    %scan3A_108:8 = scf.for %scan3A_166 = %scan3A_104 to %scan3A_106 step %scan3A_107 iter_args(%scan3A_167 = %broadcast_in_dim3A_89, %scan3A_168 = %broadcast_in_dim3A_91, %scan3A_169 = %broadcast_in_dim3A_93, %scan3A_170 = %broadcast_in_dim3A_95, %scan3A_171 = %broadcast_in_dim3A_97, %scan3A_172 = %broadcast_in_dim3A_99, %scan3A_173 = %broadcast_in_dim3A_101, %scan3A_174 = %broadcast_in_dim3A_103) -> (vector<16xf32>, vector<16xf32>, vector<16xf32>, vector<16xf32>, vector<16xf32>, vector<16xf32>, vector<16xf32>, vector<16xf32>)  : i32 {
      %add3A_175 = arith.constant 52 : i32
      %add3A_176 = arith.addi %add3A_175, %scan3A_166 : i32
      %get3A = arith.constant 0 : i32
      %get3A_177 = tpu.memref_slice %arg6[%add3A_176, %get3A] : memref<104x128xf32, #tpu.memory_space<vmem>> -> memref<1x128xf32, #tpu.memory_space<vmem>>
      %get3A_178 = tpu.memref_squeeze %get3A_177 : memref<1x128xf32, #tpu.memory_space<vmem>> -> memref<128xf32, #tpu.memory_space<vmem>>
      %get3A_179 = arith.constant 0 : index
      %get3A_180 = tpu.vector_load %get3A_178[%get3A_179] {strides = array<i32>} : memref<128xf32, #tpu.memory_space<vmem>>, vector<16xf32>,
      %add3A_181 = arith.addf %scan3A_167, %get3A_180 : vector<16xf32>
      %get3A_182 = arith.constant 0 : i32
      %get3A_183 = tpu.memref_slice %arg6[%add3A_176, %get3A_182] : memref<104x128xf32, #tpu.memory_space<vmem>> -> memref<1x128xf32, #tpu.memory_space<vmem>>
      %get3A_184 = tpu.memref_squeeze %get3A_183 : memref<1x128xf32, #tpu.memory_space<vmem>> -> memref<128xf32, #tpu.memory_space<vmem>>
      %get3A_185 = arith.constant 16 : index
      %get3A_186 = tpu.vector_load %get3A_184[%get3A_185] {strides = array<i32>} : memref<128xf32, #tpu.memory_space<vmem>>, vector<16xf32>,
      %add3A_187 = arith.addf %scan3A_168, %get3A_186 : vector<16xf32>
      %get3A_188 = arith.constant 0 : i32
      %get3A_189 = tpu.memref_slice %arg6[%add3A_176, %get3A_188] : memref<104x128xf32, #tpu.memory_space<vmem>> -> memref<1x128xf32, #tpu.memory_space<vmem>>
      %get3A_190 = tpu.memref_squeeze %get3A_189 : memref<1x128xf32, #tpu.memory_space<vmem>> -> memref<128xf32, #tpu.memory_space<vmem>>
      %get3A_191 = arith.constant 32 : index
      %get3A_192 = tpu.vector_load %get3A_190[%get3A_191] {strides = array<i32>} : memref<128xf32, #tpu.memory_space<vmem>>, vector<16xf32>,
      %add3A_193 = arith.addf %scan3A_169, %get3A_192 : vector<16xf32>
      %get3A_194 = arith.constant 0 : i32
      %get3A_195 = tpu.memref_slice %arg6[%add3A_176, %get3A_194] : memref<104x128xf32, #tpu.memory_space<vmem>> -> memref<1x128xf32, #tpu.memory_space<vmem>>
      %get3A_196 = tpu.memref_squeeze %get3A_195 : memref<1x128xf32, #tpu.memory_space<vmem>> -> memref<128xf32, #tpu.memory_space<vmem>>
      %get3A_197 = arith.constant 48 : index
      %get3A_198 = tpu.vector_load %get3A_196[%get3A_197] {strides = array<i32>} : memref<128xf32, #tpu.memory_space<vmem>>, vector<16xf32>,
      %add3A_199 = arith.addf %scan3A_170, %get3A_198 : vector<16xf32>
      %get3A_200 = arith.constant 0 : i32
      %get3A_201 = tpu.memref_slice %arg6[%add3A_176, %get3A_200] : memref<104x128xf32, #tpu.memory_space<vmem>> -> memref<1x128xf32, #tpu.memory_space<vmem>>
      %get3A_202 = tpu.memref_squeeze %get3A_201 : memref<1x128xf32, #tpu.memory_space<vmem>> -> memref<128xf32, #tpu.memory_space<vmem>>
      %get3A_203 = arith.constant 64 : index
      %get3A_204 = tpu.vector_load %get3A_202[%get3A_203] {strides = array<i32>} : memref<128xf32, #tpu.memory_space<vmem>>, vector<16xf32>,
      %add3A_205 = arith.addf %scan3A_171, %get3A_204 : vector<16xf32>
      %get3A_206 = arith.constant 0 : i32
      %get3A_207 = tpu.memref_slice %arg6[%add3A_176, %get3A_206] : memref<104x128xf32, #tpu.memory_space<vmem>> -> memref<1x128xf32, #tpu.memory_space<vmem>>
      %get3A_208 = tpu.memref_squeeze %get3A_207 : memref<1x128xf32, #tpu.memory_space<vmem>> -> memref<128xf32, #tpu.memory_space<vmem>>
      %get3A_209 = arith.constant 80 : index
      %get3A_210 = tpu.vector_load %get3A_208[%get3A_209] {strides = array<i32>} : memref<128xf32, #tpu.memory_space<vmem>>, vector<16xf32>,
      %add3A_211 = arith.addf %scan3A_172, %get3A_210 : vector<16xf32>
      %get3A_212 = arith.constant 0 : i32
      %get3A_213 = tpu.memref_slice %arg6[%add3A_176, %get3A_212] : memref<104x128xf32, #tpu.memory_space<vmem>> -> memref<1x128xf32, #tpu.memory_space<vmem>>
      %get3A_214 = tpu.memref_squeeze %get3A_213 : memref<1x128xf32, #tpu.memory_space<vmem>> -> memref<128xf32, #tpu.memory_space<vmem>>
      %get3A_215 = arith.constant 96 : index
      %get3A_216 = tpu.vector_load %get3A_214[%get3A_215] {strides = array<i32>} : memref<128xf32, #tpu.memory_space<vmem>>, vector<16xf32>,
      %add3A_217 = arith.addf %scan3A_173, %get3A_216 : vector<16xf32>
      %get3A_218 = arith.constant 0 : i32
      %get3A_219 = tpu.memref_slice %arg6[%add3A_176, %get3A_218] : memref<104x128xf32, #tpu.memory_space<vmem>> -> memref<1x128xf32, #tpu.memory_space<vmem>>
      %get3A_220 = tpu.memref_squeeze %get3A_219 : memref<1x128xf32, #tpu.memory_space<vmem>> -> memref<128xf32, #tpu.memory_space<vmem>>
      %get3A_221 = arith.constant 112 : index
      %get3A_222 = tpu.vector_load %get3A_220[%get3A_221] {strides = array<i32>} : memref<128xf32, #tpu.memory_space<vmem>>, vector<16xf32>,
      %add3A_223 = arith.addf %scan3A_174, %get3A_222 : vector<16xf32>
      scf.yield %add3A_181, %add3A_187, %add3A_193, %add3A_199, %add3A_205, %add3A_211, %add3A_217, %add3A_223 : vector<16xf32>, vector<16xf32>, vector<16xf32>, vector<16xf32>, vector<16xf32>, vector<16xf32>, vector<16xf32>, vector<16xf32>
    }
    %scan3A_109 = arith.constant 26 : i32
    %swap3A_110 = arith.constant 256 : index
    %swap3A_111 = tpu.vector_load %arg7[%swap3A_110] {strides = array<i32>} : memref<512xf32, #tpu.memory_space<vmem>>, vector<16xf32>,
    tpu.vector_store %arg7[%swap3A_110], %scan3A_108#0 {strides = array<i32>} : memref<512xf32, #tpu.memory_space<vmem>>, vector<16xf32>,
    %swap3A_112 = arith.constant 272 : index
    %swap3A_113 = tpu.vector_load %arg7[%swap3A_112] {strides = array<i32>} : memref<512xf32, #tpu.memory_space<vmem>>, vector<16xf32>,
    tpu.vector_store %arg7[%swap3A_112], %scan3A_108#1 {strides = array<i32>} : memref<512xf32, #tpu.memory_space<vmem>>, vector<16xf32>,
    %swap3A_114 = arith.constant 288 : index
    %swap3A_115 = tpu.vector_load %arg7[%swap3A_114] {strides = array<i32>} : memref<512xf32, #tpu.memory_space<vmem>>, vector<16xf32>,
    tpu.vector_store %arg7[%swap3A_114], %scan3A_108#2 {strides = array<i32>} : memref<512xf32, #tpu.memory_space<vmem>>, vector<16xf32>,
    %swap3A_116 = arith.constant 304 : index
    %swap3A_117 = tpu.vector_load %arg7[%swap3A_116] {strides = array<i32>} : memref<512xf32, #tpu.memory_space<vmem>>, vector<16xf32>,
    tpu.vector_store %arg7[%swap3A_116], %scan3A_108#3 {strides = array<i32>} : memref<512xf32, #tpu.memory_space<vmem>>, vector<16xf32>,
    %swap3A_118 = arith.constant 320 : index
    %swap3A_119 = tpu.vector_load %arg7[%swap3A_118] {strides = array<i32>} : memref<512xf32, #tpu.memory_space<vmem>>, vector<16xf32>,
    tpu.vector_store %arg7[%swap3A_118], %scan3A_108#4 {strides = array<i32>} : memref<512xf32, #tpu.memory_space<vmem>>, vector<16xf32>,
    %swap3A_120 = arith.constant 336 : index
    %swap3A_121 = tpu.vector_load %arg7[%swap3A_120] {strides = array<i32>} : memref<512xf32, #tpu.memory_space<vmem>>, vector<16xf32>,
    tpu.vector_store %arg7[%swap3A_120], %scan3A_108#5 {strides = array<i32>} : memref<512xf32, #tpu.memory_space<vmem>>, vector<16xf32>,
    %swap3A_122 = arith.constant 352 : index
    %swap3A_123 = tpu.vector_load %arg7[%swap3A_122] {strides = array<i32>} : memref<512xf32, #tpu.memory_space<vmem>>, vector<16xf32>,
    tpu.vector_store %arg7[%swap3A_122], %scan3A_108#6 {strides = array<i32>} : memref<512xf32, #tpu.memory_space<vmem>>, vector<16xf32>,
    %swap3A_124 = arith.constant 368 : index
    %swap3A_125 = tpu.vector_load %arg7[%swap3A_124] {strides = array<i32>} : memref<512xf32, #tpu.memory_space<vmem>>, vector<16xf32>,
    tpu.vector_store %arg7[%swap3A_124], %scan3A_108#7 {strides = array<i32>} : memref<512xf32, #tpu.memory_space<vmem>>, vector<16xf32>,
    %broadcast_in_dim3A_126 = arith.constant 0.000000e+00 : f32
    %broadcast_in_dim3A_127 = vector.broadcast %broadcast_in_dim3A_126 : f32 to vector<16xf32>
    %broadcast_in_dim3A_128 = arith.constant 0.000000e+00 : f32
    %broadcast_in_dim3A_129 = vector.broadcast %broadcast_in_dim3A_128 : f32 to vector<16xf32>
    %broadcast_in_dim3A_130 = arith.constant 0.000000e+00 : f32
    %broadcast_in_dim3A_131 = vector.broadcast %broadcast_in_dim3A_130 : f32 to vector<16xf32>
    %broadcast_in_dim3A_132 = arith.constant 0.000000e+00 : f32
    %broadcast_in_dim3A_133 = vector.broadcast %broadcast_in_dim3A_132 : f32 to vector<16xf32>
    %broadcast_in_dim3A_134 = arith.constant 0.000000e+00 : f32
    %broadcast_in_dim3A_135 = vector.broadcast %broadcast_in_dim3A_134 : f32 to vector<16xf32>
    %broadcast_in_dim3A_136 = arith.constant 0.000000e+00 : f32
    %broadcast_in_dim3A_137 = vector.broadcast %broadcast_in_dim3A_136 : f32 to vector<16xf32>
    %broadcast_in_dim3A_138 = arith.constant 0.000000e+00 : f32
    %broadcast_in_dim3A_139 = vector.broadcast %broadcast_in_dim3A_138 : f32 to vector<16xf32>
    %broadcast_in_dim3A_140 = arith.constant 0.000000e+00 : f32
    %broadcast_in_dim3A_141 = vector.broadcast %broadcast_in_dim3A_140 : f32 to vector<16xf32>
    %scan3A_142 = arith.constant 0 : i32
    %scan3A_143 = arith.constant 26 : i32
    %scan3A_144 = arith.addi %scan3A_142, %scan3A_143 : i32
    %scan3A_145 = arith.constant 1 : i32
    %scan3A_146:8 = scf.for %scan3A_166 = %scan3A_142 to %scan3A_144 step %scan3A_145 iter_args(%scan3A_167 = %broadcast_in_dim3A_127, %scan3A_168 = %broadcast_in_dim3A_129, %scan3A_169 = %broadcast_in_dim3A_131, %scan3A_170 = %broadcast_in_dim3A_133, %scan3A_171 = %broadcast_in_dim3A_135, %scan3A_172 = %broadcast_in_dim3A_137, %scan3A_173 = %broadcast_in_dim3A_139, %scan3A_174 = %broadcast_in_dim3A_141) -> (vector<16xf32>, vector<16xf32>, vector<16xf32>, vector<16xf32>, vector<16xf32>, vector<16xf32>, vector<16xf32>, vector<16xf32>)  : i32 {
      %add3A_175 = arith.constant 78 : i32
      %add3A_176 = arith.addi %add3A_175, %scan3A_166 : i32
      %get3A = arith.constant 0 : i32
      %get3A_177 = tpu.memref_slice %arg6[%add3A_176, %get3A] : memref<104x128xf32, #tpu.memory_space<vmem>> -> memref<1x128xf32, #tpu.memory_space<vmem>>
      %get3A_178 = tpu.memref_squeeze %get3A_177 : memref<1x128xf32, #tpu.memory_space<vmem>> -> memref<128xf32, #tpu.memory_space<vmem>>
      %get3A_179 = arith.constant 0 : index
      %get3A_180 = tpu.vector_load %get3A_178[%get3A_179] {strides = array<i32>} : memref<128xf32, #tpu.memory_space<vmem>>, vector<16xf32>,
      %add3A_181 = arith.addf %scan3A_167, %get3A_180 : vector<16xf32>
      %get3A_182 = arith.constant 0 : i32
      %get3A_183 = tpu.memref_slice %arg6[%add3A_176, %get3A_182] : memref<104x128xf32, #tpu.memory_space<vmem>> -> memref<1x128xf32, #tpu.memory_space<vmem>>
      %get3A_184 = tpu.memref_squeeze %get3A_183 : memref<1x128xf32, #tpu.memory_space<vmem>> -> memref<128xf32, #tpu.memory_space<vmem>>
      %get3A_185 = arith.constant 16 : index
      %get3A_186 = tpu.vector_load %get3A_184[%get3A_185] {strides = array<i32>} : memref<128xf32, #tpu.memory_space<vmem>>, vector<16xf32>,
      %add3A_187 = arith.addf %scan3A_168, %get3A_186 : vector<16xf32>
      %get3A_188 = arith.constant 0 : i32
      %get3A_189 = tpu.memref_slice %arg6[%add3A_176, %get3A_188] : memref<104x128xf32, #tpu.memory_space<vmem>> -> memref<1x128xf32, #tpu.memory_space<vmem>>
      %get3A_190 = tpu.memref_squeeze %get3A_189 : memref<1x128xf32, #tpu.memory_space<vmem>> -> memref<128xf32, #tpu.memory_space<vmem>>
      %get3A_191 = arith.constant 32 : index
      %get3A_192 = tpu.vector_load %get3A_190[%get3A_191] {strides = array<i32>} : memref<128xf32, #tpu.memory_space<vmem>>, vector<16xf32>,
      %add3A_193 = arith.addf %scan3A_169, %get3A_192 : vector<16xf32>
      %get3A_194 = arith.constant 0 : i32
      %get3A_195 = tpu.memref_slice %arg6[%add3A_176, %get3A_194] : memref<104x128xf32, #tpu.memory_space<vmem>> -> memref<1x128xf32, #tpu.memory_space<vmem>>
      %get3A_196 = tpu.memref_squeeze %get3A_195 : memref<1x128xf32, #tpu.memory_space<vmem>> -> memref<128xf32, #tpu.memory_space<vmem>>
      %get3A_197 = arith.constant 48 : index
      %get3A_198 = tpu.vector_load %get3A_196[%get3A_197] {strides = array<i32>} : memref<128xf32, #tpu.memory_space<vmem>>, vector<16xf32>,
      %add3A_199 = arith.addf %scan3A_170, %get3A_198 : vector<16xf32>
      %get3A_200 = arith.constant 0 : i32
      %get3A_201 = tpu.memref_slice %arg6[%add3A_176, %get3A_200] : memref<104x128xf32, #tpu.memory_space<vmem>> -> memref<1x128xf32, #tpu.memory_space<vmem>>
      %get3A_202 = tpu.memref_squeeze %get3A_201 : memref<1x128xf32, #tpu.memory_space<vmem>> -> memref<128xf32, #tpu.memory_space<vmem>>
      %get3A_203 = arith.constant 64 : index
      %get3A_204 = tpu.vector_load %get3A_202[%get3A_203] {strides = array<i32>} : memref<128xf32, #tpu.memory_space<vmem>>, vector<16xf32>,
      %add3A_205 = arith.addf %scan3A_171, %get3A_204 : vector<16xf32>
      %get3A_206 = arith.constant 0 : i32
      %get3A_207 = tpu.memref_slice %arg6[%add3A_176, %get3A_206] : memref<104x128xf32, #tpu.memory_space<vmem>> -> memref<1x128xf32, #tpu.memory_space<vmem>>
      %get3A_208 = tpu.memref_squeeze %get3A_207 : memref<1x128xf32, #tpu.memory_space<vmem>> -> memref<128xf32, #tpu.memory_space<vmem>>
      %get3A_209 = arith.constant 80 : index
      %get3A_210 = tpu.vector_load %get3A_208[%get3A_209] {strides = array<i32>} : memref<128xf32, #tpu.memory_space<vmem>>, vector<16xf32>,
      %add3A_211 = arith.addf %scan3A_172, %get3A_210 : vector<16xf32>
      %get3A_212 = arith.constant 0 : i32
      %get3A_213 = tpu.memref_slice %arg6[%add3A_176, %get3A_212] : memref<104x128xf32, #tpu.memory_space<vmem>> -> memref<1x128xf32, #tpu.memory_space<vmem>>
      %get3A_214 = tpu.memref_squeeze %get3A_213 : memref<1x128xf32, #tpu.memory_space<vmem>> -> memref<128xf32, #tpu.memory_space<vmem>>
      %get3A_215 = arith.constant 96 : index
      %get3A_216 = tpu.vector_load %get3A_214[%get3A_215] {strides = array<i32>} : memref<128xf32, #tpu.memory_space<vmem>>, vector<16xf32>,
      %add3A_217 = arith.addf %scan3A_173, %get3A_216 : vector<16xf32>
      %get3A_218 = arith.constant 0 : i32
      %get3A_219 = tpu.memref_slice %arg6[%add3A_176, %get3A_218] : memref<104x128xf32, #tpu.memory_space<vmem>> -> memref<1x128xf32, #tpu.memory_space<vmem>>
      %get3A_220 = tpu.memref_squeeze %get3A_219 : memref<1x128xf32, #tpu.memory_space<vmem>> -> memref<128xf32, #tpu.memory_space<vmem>>
      %get3A_221 = arith.constant 112 : index
      %get3A_222 = tpu.vector_load %get3A_220[%get3A_221] {strides = array<i32>} : memref<128xf32, #tpu.memory_space<vmem>>, vector<16xf32>,
      %add3A_223 = arith.addf %scan3A_174, %get3A_222 : vector<16xf32>
      scf.yield %add3A_181, %add3A_187, %add3A_193, %add3A_199, %add3A_205, %add3A_211, %add3A_217, %add3A_223 : vector<16xf32>, vector<16xf32>, vector<16xf32>, vector<16xf32>, vector<16xf32>, vector<16xf32>, vector<16xf32>, vector<16xf32>
    }
    %scan3A_147 = arith.constant 26 : i32
    %swap3A_148 = arith.constant 384 : index
    %swap3A_149 = tpu.vector_load %arg7[%swap3A_148] {strides = array<i32>} : memref<512xf32, #tpu.memory_space<vmem>>, vector<16xf32>,
    tpu.vector_store %arg7[%swap3A_148], %scan3A_146#0 {strides = array<i32>} : memref<512xf32, #tpu.memory_space<vmem>>, vector<16xf32>,
    %swap3A_150 = arith.constant 400 : index
    %swap3A_151 = tpu.vector_load %arg7[%swap3A_150] {strides = array<i32>} : memref<512xf32, #tpu.memory_space<vmem>>, vector<16xf32>,
    tpu.vector_store %arg7[%swap3A_150], %scan3A_146#1 {strides = array<i32>} : memref<512xf32, #tpu.memory_space<vmem>>, vector<16xf32>,
    %swap3A_152 = arith.constant 416 : index
    %swap3A_153 = tpu.vector_load %arg7[%swap3A_152] {strides = array<i32>} : memref<512xf32, #tpu.memory_space<vmem>>, vector<16xf32>,
    tpu.vector_store %arg7[%swap3A_152], %scan3A_146#2 {strides = array<i32>} : memref<512xf32, #tpu.memory_space<vmem>>, vector<16xf32>,
    %swap3A_154 = arith.constant 432 : index
    %swap3A_155 = tpu.vector_load %arg7[%swap3A_154] {strides = array<i32>} : memref<512xf32, #tpu.memory_space<vmem>>, vector<16xf32>,
    tpu.vector_store %arg7[%swap3A_154], %scan3A_146#3 {strides = array<i32>} : memref<512xf32, #tpu.memory_space<vmem>>, vector<16xf32>,
    %swap3A_156 = arith.constant 448 : index
    %swap3A_157 = tpu.vector_load %arg7[%swap3A_156] {strides = array<i32>} : memref<512xf32, #tpu.memory_space<vmem>>, vector<16xf32>,
    tpu.vector_store %arg7[%swap3A_156], %scan3A_146#4 {strides = array<i32>} : memref<512xf32, #tpu.memory_space<vmem>>, vector<16xf32>,
    %swap3A_158 = arith.constant 464 : index
    %swap3A_159 = tpu.vector_load %arg7[%swap3A_158] {strides = array<i32>} : memref<512xf32, #tpu.memory_space<vmem>>, vector<16xf32>,
    tpu.vector_store %arg7[%swap3A_158], %scan3A_146#5 {strides = array<i32>} : memref<512xf32, #tpu.memory_space<vmem>>, vector<16xf32>,
    %swap3A_160 = arith.constant 480 : index
    %swap3A_161 = tpu.vector_load %arg7[%swap3A_160] {strides = array<i32>} : memref<512xf32, #tpu.memory_space<vmem>>, vector<16xf32>,
    tpu.vector_store %arg7[%swap3A_160], %scan3A_146#6 {strides = array<i32>} : memref<512xf32, #tpu.memory_space<vmem>>, vector<16xf32>,
    %swap3A_162 = arith.constant 496 : index
    %swap3A_163 = tpu.vector_load %arg7[%swap3A_162] {strides = array<i32>} : memref<512xf32, #tpu.memory_space<vmem>>, vector<16xf32>,
    tpu.vector_store %arg7[%swap3A_162], %scan3A_146#7 {strides = array<i32>} : memref<512xf32, #tpu.memory_space<vmem>>, vector<16xf32>,
    %mul3A_164 = arith.constant 512 : i32
    %mul3A_165 = arith.muli %add3A, %mul3A_164 : i32
    "tpu.region"() ({
      %run_scoped3A = tpu.sem_alloc : memref<!tpu.dma_semaphore, #tpu.memory_space<semaphore_mem>>
      %dma_start3A = tpu.memref_slice %arg4[%mul3A_165] : memref<16384xf32, #tpu.memory_space<hbm>> -> memref<512xf32, #tpu.memory_space<hbm>>
      %dma_start3A_166 = tpu.memref_slice %arg4[%mul3A_165] : memref<16384xf32, #tpu.memory_space<hbm>> -> memref<512xf32, #tpu.memory_space<hbm>>
      tpu.enqueue_dma source(%arg7 : memref<512xf32, #tpu.memory_space<vmem>>) target(%dma_start3A_166 : memref<512xf32, #tpu.memory_space<hbm>>) target_semaphore(%run_scoped3A : memref<!tpu.dma_semaphore, #tpu.memory_space<semaphore_mem>>)
      %dma_wait3A = tpu.memref_slice %arg4[%mul3A_165] : memref<16384xf32, #tpu.memory_space<hbm>> -> memref<512xf32, #tpu.memory_space<hbm>>
      %dma_wait3A_167 = tpu.memref_slice %arg4[%mul3A_165] : memref<16384xf32, #tpu.memory_space<hbm>> -> memref<512xf32, #tpu.memory_space<hbm>>
      tpu.wait_dma2 semaphore(%run_scoped3A : memref<!tpu.dma_semaphore, #tpu.memory_space<semaphore_mem>>) src(%arg7 : memref<512xf32, #tpu.memory_space<vmem>>) dst(%dma_wait3A_167 : memref<512xf32, #tpu.memory_space<hbm>>)
      tpu.yield
    }) : () -> ()
    return
  }
}

</mosaic_0001>

<sc_bundles>
// kernel: kernel.4.cloned.1.call-start
scs
__scs_entry_jumppad:
0x0: {  	(pc) =	sbr.rel $0x88, $3  }
0x1: {  	(tag) =	ssettag $0x0;
	lr =	simm.s32 $0x1  }
0x2: {  	[smem:$0x3F9E] =	sst lr;
	_ =	strace $0xD0000000  }
0x3: {  	_ = 	snop  }
0x4: {  	_ = 	snop  }
0x5: {  	_ = 	snop  }
0x6: {  	_ = 	snop  }
0x7: {  	_ = 	snop  }
__scs_overlays_trampoline_lowered:
0x8: {  	[smem:$0x3FAD] =	sst s0  }
0x9: {  	[smem:$0x3FAE] =	sst s1  }
0xa: {  	[smem:$0x3FAF] =	sst s2  }
0xb: {  	[smem:$0x3FB0] =	sst s3  }
0xc: {  	[smem:$0x3FB1] =	sst s4  }
0xd: {  	[smem:$0x3FB2] =	sst s5  }
0xe: {  	[smem:$0x3FB3] =	sst s6  }
0xf: {  	[smem:$0x3FB4] =	sst s7  }
0x10: {  	[smem:$0x3FB5] =	sst s8  }
0x11: {  	[smem:$0x3FB6] =	sst s9;
	s0 =	simm.s32 @!p0 $0x0  }
0x12: {  	s1 =	sld [smem:$0x3F9C];
	s0 =	simm.s32 @p0 $0x1  }
0x13: {  	[smem:$0x3FB7] =	sst s0;
	s0 =	simm.s32 @!p1 $0x0  }
0x14: {  	s2 =	sld [smem:$0x3F9B];
	s0 =	simm.s32 @p1 $0x1  }
0x15: {  	[smem:$0x3FB8] =	sst s0;
	s0 =	simm.s32 @!p2 $0x0  }
0x16: {  	s3 =	sld [smem:$0x3FDB];
	s0 =	simm.s32 @p2 $0x1  }
0x17: {  	s4 =	simm.s32 $0x1BF5;
	[smem:$0x3FBA] =	sst s0  }
0x18: {  	s0 =	sld [smem:$0x3F9D];
	_ =	swait.ge [sflag:s4], $0x0  }
0x19: {  	s7 =	sld [smem:$0x3F9E]  }
0x1a: {  	s8 =	sadd.s32 $0xFFFFE003, lr  }
0x1b: {  	s9 =	sadd.s32 $0xFFFFFEF7, lr;
	s5 =	simm.s32 $0xFFFFFFFF;
	p2 =	slt.u32 s8, $0xFFFFF086  }
0x1c: {  	p1 =	slt.u32 s9, $0xF7A;
	s5 =	simm.s32 @!p2 $0x0  }
0x1d: {  	s5 =	simm.s32 @p1 $0x1;
	p0 =	seq.s32 s7, s2  }
0x1e: {  	s7 =	smul.u32 @!p0 $0xF7A, s2;
	p2 =	seq.s32 @!p0 s5, $0x0  }
0x1f: {  	s9 =	smul.u32 $0xF7A, s1;
	s8 =	simm.s32 @!p0 $0x1BF5;
	p2 =	por !p2, p0  }
0x20: {  	[sflag:s8] =	ssyncset.s32 @!p0 $0xFFFFF086;
	s6 =	sadd.s32 @!p0 s3, s7;
	s7 =	simm.s32 @!p0 $0x108  }
0x21: {  	s3 =	sadd.s32 s3, s9;
	s6 =	sadd.s32 @!p0 $0x88, s6;
	s7 =	simm.s32 @p2 $0x1082  }
0x22: {  	[simem:s7], [sflag:s8] =	dma.local @!p0 [hbm:s6], $0xF7A  }
0x23: {  	s9 =	sor.u32 $0xD0000000, s2;
	s6 =	simm.s32 $0x108;
	_ =	swait.ge @!p0 [sflag:s8], $0x0  }
0x24: {  	s3 =	sadd.s32 $0x88, s3;
	s6 =	simm.s32 @!p1 $0x1082;
	[sflag:s4] =	ssyncset.s32 $0xFFFFF086  }
0x25: {  	[simem:s6], [sflag:s4] =	dma.local [hbm:s3], $0xF7A  }
0x26: {  	[smem:$0x3F9E] =	sst s1;
	(tag) =	ssettag s2;
	_ =	strace s9  }
0x27: {  	s1 =	sld [smem:$0x3FAE]  }
0x28: {  	s2 =	sld [smem:$0x3FAF]  }
0x29: {  	s4 =	sld [smem:$0x3FB1]  }
0x2a: {  	p0 =	seq.s32 s5, $0x0;
	s5 =	sld [smem:$0x3FB2]  }
0x2b: {  	s6 =	sld [smem:$0x3FB3]  }
0x2c: {  	s7 =	sld [smem:$0x3FB4]  }
0x2d: {  	s3 =	simm.s32 $0x108;
	s8 =	sld [smem:$0x3FB5]  }
0x2e: {  	s3 =	simm.s32 @!p0 $0x1082;
	s9 =	sld [smem:$0x3FB6]  }
0x2f: {  	lr =	sadd.s32 s0, s3;
	s0 =	sld [smem:$0x3FAD]  }
0x30: {  	s3 =	sld [smem:$0x3FB0]  }
0x31: {  	[smem:$0x3FB9] =	sst s10  }
0x32: {  	s10 =	sld [smem:$0x3FB7];
	_ =	sdelay $0x3  }
0x33: {  	p0 =	seq.s32 s10, $0x1;
	s10 =	sld [smem:$0x3FB9];
	_ =	sdelay $0x3  }
0x34: {  	[smem:$0x3FB9] =	sst s10  }
0x35: {  	s10 =	sld [smem:$0x3FB8];
	_ =	sdelay $0x3  }
0x36: {  	p1 =	seq.s32 s10, $0x1;
	s10 =	sld [smem:$0x3FB9];
	_ =	sdelay $0x3  }
0x37: {  	[smem:$0x3FB9] =	sst s10  }
0x38: {  	s10 =	sld [smem:$0x3FBA]  }
0x39: {  	_ = 	snop;
	(pc) =	sbr.ind lr, $3  }
0x3a: {  	_ = 	snop  }
0x3b: {  	_ = 	snop  }
0x3c: {  	p2 =	seq.s32 s10, $0x1;
	s10 =	sld [smem:$0x3FB9]  }
0x3d: {  	_ =	shalt  }
0x3e: {  	_ =	shalt  }
0x3f: {  	_ =	shalt  }
0x40: {  	_ =	shalt  }
0x41: {  	_ =	shalt  }
0x42: {  	_ =	shalt  }
0x43: {  	_ =	shalt  }
0x44: {  	_ =	shalt  }
0x45: {  	_ =	shalt  }
0x46: {  	_ =	shalt  }
0x47: {  	_ =	shalt  }
0x48: {  	_ =	shalt  }
0x49: {  	_ =	shalt  }
0x4a: {  	_ =	shalt  }
0x4b: {  	_ =	shalt  }
0x4c: {  	_ =	shalt  }
0x4d: {  	_ =	shalt  }
0x4e: {  	_ =	shalt  }
0x4f: {  	_ =	shalt  }
0x50: {  	_ =	shalt  }
0x51: {  	_ =	shalt  }
0x52: {  	_ =	shalt  }
0x53: {  	_ =	shalt  }
0x54: {  	_ =	shalt  }
0x55: {  	_ =	shalt  }
0x56: {  	_ =	shalt  }
0x57: {  	_ =	shalt  }
0x58: {  	_ =	shalt  }
0x59: {  	_ =	shalt  }
0x5a: {  	_ =	shalt  }
0x5b: {  	_ =	shalt  }
0x5c: {  	_ =	shalt  }
0x5d: {  	_ =	shalt  }
0x5e: {  	_ =	shalt  }
0x5f: {  	_ =	shalt  }
0x60: {  	_ =	shalt  }
0x61: {  	_ =	shalt  }
0x62: {  	_ =	shalt  }
0x63: {  	_ =	shalt  }
0x64: {  	_ =	shalt  }
0x65: {  	_ =	shalt  }
0x66: {  	_ =	shalt  }
0x67: {  	_ =	shalt  }
0x68: {  	_ =	shalt  }
0x69: {  	_ =	shalt  }
0x6a: {  	_ =	shalt  }
0x6b: {  	_ =	shalt  }
0x6c: {  	_ =	shalt  }
0x6d: {  	_ =	shalt  }
0x6e: {  	_ =	shalt  }
0x6f: {  	_ =	shalt  }
0x70: {  	_ =	shalt  }
0x71: {  	_ =	shalt  }
0x72: {  	_ =	shalt  }
0x73: {  	_ =	shalt  }
0x74: {  	_ =	shalt  }
0x75: {  	_ =	shalt  }
0x76: {  	_ =	shalt  }
0x77: {  	_ =	shalt  }
0x78: {  	_ =	shalt  }
0x79: {  	_ =	shalt  }
0x7a: {  	_ =	shalt  }
0x7b: {  	_ =	shalt  }
0x7c: {  	_ =	shalt  }
0x7d: {  	_ =	shalt  }
0x7e: {  	_ =	shalt  }
0x7f: {  	_ =	shalt  }
0x80: {  	_ =	shalt  }
0x81: {  	_ =	shalt  }
0x82: {  	_ =	shalt  }
0x83: {  	_ =	shalt  }
0x84: {  	_ =	shalt  }
0x85: {  	_ =	shalt  }
0x86: {  	_ =	shalt  }
0x87: {  	_ =	shalt  }
.Lfunc_end0:
.L_simem_size_0:
called_computation_lowered:
.L_overlay_start_0:
0x88: {  	s2 =	sld [smem:$0x3FD9]  }
0x89: {  	s3 =	sld [smem:$0x3FFE];
	_ =	sdelay $0x1  }
0x8a: {  	s1 =	srdreg.scid  }
0x8b: {  	s0 =	sand.u32 $0x1, s1  }
0x8c: {  	s16 =	sshll.u32 s0, $0xA;
	s2 =	sadd.s32 s3, s2  }
0x8d: {  	s2 =	sadd.s32 s2, s16  }
0x8e: {  	[smem:$0x3FC5] =	sst s2  }
0x8f: {  	_ = 	snop  }
0x90: {  	(tm) =	ssettm $0x1  }
0x91: {  	s17 =	sld [smem:$0x3FFB];
	_ =	sdelay $0x3  }
0x92: {  	_ =	strace s17  }
0x93: {  	s2 =	sld [smem:$0x3FFC];
	_ =	sdelay $0x3  }
0x94: {  	_ =	strace s2  }
0x95: {  	s2 =	sld [smem:$0x3FFD];
	_ =	sdelay $0x3  }
0x96: {  	_ =	strace s2  }
0x97: {  	_ =	strace $0x8FFFFFFF  }
0x98: {  	s18 =	sld [smem:$0x3FDB];
	_ =	sdelay $0x1  }
0x99: {  	s19 =	simm.s32 $_scs_section_size  }
0x9a: {  	s4 =	simm.s32 $_size__tile_overlayer_lowered;
	s5 =	simm.s32 $_tile_overlayer_lowered  }
0x9b: {  	s22 =	simm.s32 $0x1BFF;
	s21 =	sshll.u32 s5, $0x1;
	s2 =	sadd.s32 s19, s18  }
0x9c: {  	s6 =	simm.s32 $0x0;
	s20 =	sshll.u32 s4, $0x1;
	s4 =	sadd.s32 s21, s2  }
0x9d: {  	[timem:s6], [sflag:s22] =	dma.local [hbm:s4], s20  }
0x9e: {  	_ =	swait.ge [sflag:s22], s20  }
0x9f: {  	s3 =	ssub.s32 $0x0, s20;
	[sflag:s22] =	ssyncset.done $0x0  }
0xa0: {  	[sflag:s22] =	ssyncadd.s32 s3;
	_ =	sdelay $0x1  }
0xa1: {  	s23 =	simm.s32 $0x1B8B  }
0xa2: {  	_ =	swait.ge [sflag:s23], $0x1  }
0xa3: {  	[sflag:s23] =	ssyncset.done $0x0  }
0xa4: {  	s25 =	simm.s32 $0x1B8E;
	s24 =	sld [smem:$0x3FFE];
	[sflag:s23] =	ssyncadd.s32 $0xFFFFFFFF  }
0xa5: {  	s26 =	simm.s32 $execute0_lowered;
	[smem:$0x3FD2] =	sst s25  }
0xa6: {  	s4 =	sshll.u32 s26, $0x1;
	_ =	strace $0x80000046;
	[dreg:$0x1] =	wrdreg $0xFFFFFFFF  }
0xa7: {  	s28 =	simm.s32 $_size_execute0_lowered;
	s2 =	sadd.s32 s2, s4;
	[dreg:$0x0] =	wrdreg $0x0  }
0xa8: {  	s4 =	sshll.u32 s28, $0x1;
	[dreg:$0x2] =	wrdreg s2  }
0xa9: {  	[dreg:$0x3] =	wrdreg s4  }
0xaa: {  	[dreg:$0x4] =	wrdreg $0xC0  }
0xab: {  	_ =	task [dreg:s6], $0x5FFFF  }
0xac: {  	[dreg:$0x1] =	wrdreg $0xFFFFFFFF  }
0xad: {  	[dreg:$0x0] =	wrdreg $0x60  }
0xae: {  	[dreg:$0x2] =	wrdreg s24  }
0xaf: {  	[dreg:$0x3] =	wrdreg $0x9  }
0xb0: {  	_ =	task.clear_ibuf [dreg:s6], $0x4FFFF;
	_ =	strace $0x90000046  }
0xb1: {  	s29 =	simm.s32 $0x9;
	_ =	strace $0x80000048  }
0xb2: {  	_ =	swait.ge [sflag:s29], $0x1  }
0xb3: {  	[sflag:s29] =	ssyncadd.s32 $0xFFFFFFFF  }
0xb4: {  	_ =	strace $0x90000048  }
0xb5: {  	_ =	sfence  }
0xb6: {  	s30 =	sld [smem:$0x0];
	_ =	sdelay $0x2  }
0xb7: {  	s31 =	sshll.u32 s1, $0xD;
	s1 =	sshrl.u32 s1, $0x2  }
0xb8: {  	s3 =	sand.u32 $0x4000, s31;
	s1 =	sadd.s32 s1, s30  }
0xb9: {  	s0 =	sor.u32 s3, s0;
	s1 =	sshll.u32 s1, $0x11  }
0xba: {  	s0 =	sor.u32 s1, s0  }
0xbb: {  	s0 =	sadd.s32 $0x8F2B, s0  }
0xbc: {  	[sflag:s0] =	ssyncadd.remote.s32 $0x1  }
0xbd: {  	_ =	sfence.sel $0xFFFF  }
0xbe: {  	[dreg:$0x0] =	wrdreg $0xFFFFFFFF;
	(pc) =	sbr.abs _section_cstart, $3  }
0xbf: {  	[dreg:$0x1] =	wrdreg $0xFFFFFFFF  }
0xc0: {  	_ =	task.clear_ibuf [dreg:s6], $0x2FFFF;
	_ =	strace $0x9FFFFFFF  }
0xc1: {  	(tm) =	ssettm $0x7FFFFFFF  }
tec
execute0_lowered:
.L_overlay_start_1:
0x0: {  	(tag) =	ssettag $0x1  }
0x1: {  	v0 =	vlaneseq.u32  }
0x2: {  	v0 =	vmul.u32 $0x80, v0;
	_ =	sdelay $0x1  }
0x3: {  	v1 =	vor.u32 $0x800, v0  }
0x4: {  	v2 =	vor.u32 $0x1000, v0;
	v3 =	vor.u32 $0x1800, v0;
	v4 =	vor.u32 $0x2000, v0  }
0x5: {  	v5 =	vor.u32 $0x2800, v0;
	v6 =	vor.u32 $0x3000, v0;
	v7 =	vor.u32 $0x3800, v0  }
0x6: {  	s1 =	srdreg.scid;
	s0 =	stileid.u32;
	v8 =	vor.u32 $0x4000, v0;
	v9 =	vor.u32 $0x4800, v0;
	v10 =	vor.u32 $0x5000, v0  }
0x7: {  	s3 =	rddreg [dreg:$0x0];
	s2 =	simm.s32 $0x0;
	s8 =	simm.s32 $0x0;
	v11 =	vor.u32 $0x5800, v0;
	v12 =	vor.u32 $0x6000, v0;
	v13 =	vor.u32 $0x6800, v0  }
0x8: {  	s4 =	sand.u32 $0x1, s1;
	s5 =	sshll.u32 s0, $0x1;
	s1 =	rddreg [dreg:$0x1];
	v14 =	vor.u32 $0x7000, v0;
	v15 =	vor.u32 $0x7800, v0;
	v16 =	vor.u32 $0x8000, v0  }
0x9: {  	[smem:$0x7FF] =	sst s2;
	s5 =	sor.u32 s4, s5;
	s4 =	ssub.s32 $0x2, s4;
	v17 =	vor.u32 $0x8800, v0;
	v18 =	vor.u32 $0x9000, v0;
	v19 =	vor.u32 $0x9800, v0  }
0xa: {  	s6 =	smul.u32 $0x680, s5;
	s5 =	sshll.u32 s5, $0xD;
	s7 =	sshrl.u32 s4, $0x1;
	v20 =	vor.u32 $0xA000, v0;
	v21 =	vor.u32 $0xA800, v0;
	v22 =	vor.u32 $0xB000, v0  }
0xb: {  	_ =	strace $0x80000047;
	v23 =	vor.u32 $0xB800, v0;
	v24 =	vor.u32 $0xC000, v0;
	v25 =	vor.u32 $0xC800, v0;
	s5 =	sadd.s32 s5, s3;
	s7 =	ssub.s32 s4, s7  }
0xc: {  	v26 =	vor.u32 $0xD000, v0;
	v27 =	vor.u32 $0xD800, v0;
	v28 =	vor.u32 $0xE000, v0;
	s6 =	sadd.s32 s6, s3;
	s3 =	sadd.s32 $0x1000, s5;
	s5 =	smax.u32 s7, $0x1  }
0xd: {  	v29 =	vor.u32 $0xE800, v0;
	v30 =	vor.u32 $0xF000, v0;
	v31 =	vor.u32 $0xF800, v0;
	s7 =	simm.s32 $0x10000;
	s4 =	sadd.s32 $0x41000, s6;
	s6 =	simm.s32 $0x1  }
.LBB2_1:
0xe: {  	v32 =	vmov s2  }
0xf: {  	v32 =	vand.u32 $0x7F, v32  }
0x10: {  	v32 =	vbroadcast v32, $0x0;
	_ =	sdelay $0x1  }
0x11: {  	v33 =	vor.u32 v0, v32  }
0x12: {  	[tilespmem:s2], [sflag:$0x1] =	stream.linear.gather [hbm4b:s3+s2], $0x10000, $0x38;
	[tilespmem:$0x13400] =	vst v63  }
0x13: {  	_ =	swait.ge [sflag:s6], $0x10000  }
0x14: {  	[sflag:s6] =	ssyncset.done $0x0  }
0x15: {  	[sflag:s6] =	ssyncadd.s32 $0xFFFF0000  }
0x16: {  	v33 =	vld.idx.msk [tilespmem:v33+s2+$0x0], $0xffff;
	_ =	sdelay $0x1  }
0x17: {  	v34 =	vor.u32 v1, v32;
	_ =	sdelay $0x2  }
0x18: {  	s10 =	simm.s32 $0x10040;
	v33 =	vadd.s32 s2, v33  }
0x19: {  	[tilespmem:s10+$0xFFFFFFC0] =	vst v33  }
0x1a: {  	v33 =	vld.idx.msk [tilespmem:v34+s2+$0x0], $0xffff;
	_ =	sdelay $0x1  }
0x1b: {  	v59 =	vor.u32 v2, v32;
	_ =	sdelay $0x2  }
0x1c: {  	v33 =	vadd.s32 s2, v33  }
0x1d: {  	[tilespmem:s10+$0xFFFFFFD0] =	vst v33  }
0x1e: {  	v33 =	vld.idx.msk [tilespmem:v59+s2+$0x0], $0xffff;
	_ =	sdelay $0x1  }
0x1f: {  	v60 =	vor.u32 v3, v32;
	_ =	sdelay $0x2  }
0x20: {  	v33 =	vadd.s32 s2, v33  }
0x21: {  	[tilespmem:s10+$0xFFFFFFE0] =	vst v33  }
0x22: {  	v33 =	vld.idx.msk [tilespmem:v60+s2+$0x0], $0xffff;
	_ =	sdelay $0x1  }
0x23: {  	v61 =	vor.u32 v4, v32;
	_ =	sdelay $0x2  }
0x24: {  	v33 =	vadd.s32 s2, v33  }
0x25: {  	[tilespmem:s10+$0xFFFFFFF0] =	vst v33  }
0x26: {  	v33 =	vld.idx.msk [tilespmem:v61+s2+$0x0], $0xffff;
	_ =	sdelay $0x1  }
0x27: {  	v62 =	vor.u32 v5, v32;
	_ =	sdelay $0x2  }
0x28: {  	v33 =	vadd.s32 s2, v33  }
0x29: {  	[tilespmem:s10+$0x0] =	vst v33  }
0x2a: {  	v33 =	vld.idx.msk [tilespmem:v62+s2+$0x0], $0xffff;
	_ =	sdelay $0x1  }
0x2b: {  	v63 =	vor.u32 v6, v32;
	_ =	sdelay $0x2  }
0x2c: {  	v33 =	vadd.s32 s2, v33  }
0x2d: {  	[tilespmem:s10+$0x10] =	vst v33  }
0x2e: {  	v33 =	vld.idx.msk [tilespmem:v63+s2+$0x0], $0xffff;
	_ =	sdelay $0x1  }
0x2f: {  	v32 =	vor.u32 v7, v32;
	_ =	sdelay $0x2  }
0x30: {  	s9 =	simm.s32 $0x1;
	v34 =	vadd.s32 s2, v33  }
0x31: {  	s12 =	simm.s32 $0x2;
	s11 =	simm.s32 $0x0;
	v33 =	vmov s9;
	s9 =	simm.s32 $0x0;
	[tilespmem:s10+$0x20] =	vst v34  }
.LBB2_2:
0x32: {  	p0 =	sne.s32 s12, $0x19;
	v33 =	vand.u32 $0x7F, v33;
	v32 =	vld.idx.msk [tilespmem:v32+s9+$0x0], $0xffff  }
0x33: {  	v33 =	vbroadcast v33, $0x0;
	_ =	sdelay $0x1  }
0x34: {  	v34 =	vor.u32 v0, v33;
	_ =	sdelay $0x2  }
0x35: {  	v32 =	vadd.s32 s11, v32  }
0x36: {  	s9 =	simm.s32 $0x0;
	[tilespmem:s10+$0x30] =	vst v32  }
0x37: {  	v32 =	vld.idx.msk [tilespmem:v34+s9+$0x0], $0xffff;
	_ =	sdelay $0x2  }
0x38: {  	v34 =	vor.u32 v1, v33;
	_ =	sdelay $0x1  }
0x39: {  	s11 =	sadd.s32 $0x186A0, s11  }
0x3a: {  	s10 =	sadd.s32 $0x80, s10;
	v32 =	vadd.s32 s11, v32  }
0x3b: {  	[tilespmem:s10+$0xFFFFFFC0] =	vst v32  }
0x3c: {  	v32 =	vld.idx.msk [tilespmem:v34+s9+$0x0], $0xffff;
	_ =	sdelay $0x2  }
0x3d: {  	v34 =	vor.u32 v2, v33;
	_ =	sdelay $0x2  }
0x3e: {  	v32 =	vadd.s32 s11, v32  }
0x3f: {  	[tilespmem:s10+$0xFFFFFFD0] =	vst v32  }
0x40: {  	v32 =	vld.idx.msk [tilespmem:v34+s9+$0x0], $0xffff;
	_ =	sdelay $0x2  }
0x41: {  	v34 =	vor.u32 v3, v33;
	_ =	sdelay $0x2  }
0x42: {  	v32 =	vadd.s32 s11, v32  }
0x43: {  	[tilespmem:s10+$0xFFFFFFE0] =	vst v32  }
0x44: {  	v32 =	vld.idx.msk [tilespmem:v34+s9+$0x0], $0xffff;
	_ =	sdelay $0x2  }
0x45: {  	v34 =	vor.u32 v4, v33;
	_ =	sdelay $0x2  }
0x46: {  	v32 =	vadd.s32 s11, v32  }
0x47: {  	[tilespmem:s10+$0xFFFFFFF0] =	vst v32  }
0x48: {  	v32 =	vld.idx.msk [tilespmem:v34+s9+$0x0], $0xffff;
	_ =	sdelay $0x2  }
0x49: {  	v34 =	vor.u32 v5, v33;
	_ =	sdelay $0x2  }
0x4a: {  	v32 =	vadd.s32 s11, v32  }
0x4b: {  	[tilespmem:s10+$0x0] =	vst v32  }
0x4c: {  	v32 =	vld.idx.msk [tilespmem:v34+s9+$0x0], $0xffff;
	_ =	sdelay $0x2  }
0x4d: {  	v34 =	vor.u32 v6, v33;
	_ =	sdelay $0x2  }
0x4e: {  	v32 =	vadd.s32 s11, v32  }
0x4f: {  	[tilespmem:s10+$0x10] =	vst v32  }
0x50: {  	v34 =	vld.idx.msk [tilespmem:v34+s9+$0x0], $0xffff;
	_ =	sdelay $0x2  }
.Ltmp0:
0x51: {  	v32 =	vor.u32 v7, v33;
	(pc) =	sbr.rel @p0 .LBB2_2-.Ltmp0, $3  }
0x52: {  	_ =	sdelay $0x1  }
0x53: {  	v34 =	vadd.s32 s11, v34  }
0x54: {  	v33 =	vmov s12;
	s12 =	sadd.s32 $0x1, s12;
	[tilespmem:s10+$0x20] =	vst v34  }
0x55: {  	_ =	sdelay $0x2  }
0x56: {  	v33 =	vand.u32 $0x7F, v33  }
0x57: {  	v32 =	vld.idx.msk [tilespmem:v32+s9+$0x0], $0xffff;
	v33 =	vbroadcast v33, $0x0;
	_ =	sdelay $0x1  }
0x58: {  	v34 =	vor.u32 v0, v33;
	_ =	sdelay $0x2  }
0x59: {  	v32 =	vadd.s32 s11, v32  }
0x5a: {  	[tilespmem:s10+$0x30] =	vst v32  }
0x5b: {  	v32 =	vld.idx.msk [tilespmem:v34+s9+$0x0], $0xffff;
	_ =	sdelay $0x1  }
0x5c: {  	v58 =	vor.u32 v1, v33;
	_ =	sdelay $0x1  }
0x5d: {  	s12 =	sadd.s32 $0x186A0, s11  }
0x5e: {  	s13 =	sadd.s32 $0x80, s10;
	v32 =	vadd.s32 s12, v32  }
0x5f: {  	[tilespmem:s13+$0xFFFFFFC0] =	vst v32  }
0x60: {  	v32 =	vld.idx.msk [tilespmem:v58+s9+$0x0], $0xffff;
	_ =	sdelay $0x1  }
0x61: {  	v59 =	vor.u32 v2, v33;
	_ =	sdelay $0x2  }
0x62: {  	v32 =	vadd.s32 s12, v32  }
0x63: {  	[tilespmem:s13+$0xFFFFFFD0] =	vst v32  }
0x64: {  	v32 =	vld.idx.msk [tilespmem:v59+s9+$0x0], $0xffff;
	_ =	sdelay $0x1  }
0x65: {  	v60 =	vor.u32 v3, v33;
	_ =	sdelay $0x2  }
0x66: {  	v32 =	vadd.s32 s12, v32  }
0x67: {  	[tilespmem:s13+$0xFFFFFFE0] =	vst v32  }
0x68: {  	v32 =	vld.idx.msk [tilespmem:v60+s9+$0x0], $0xffff;
	_ =	sdelay $0x1  }
0x69: {  	v61 =	vor.u32 v4, v33;
	_ =	sdelay $0x2  }
0x6a: {  	v32 =	vadd.s32 s12, v32  }
0x6b: {  	[tilespmem:s13+$0xFFFFFFF0] =	vst v32  }
0x6c: {  	v32 =	vld.idx.msk [tilespmem:v61+s9+$0x0], $0xffff;
	_ =	sdelay $0x1  }
0x6d: {  	v62 =	vor.u32 v5, v33;
	_ =	sdelay $0x2  }
0x6e: {  	v32 =	vadd.s32 s12, v32  }
0x6f: {  	[tilespmem:s13+$0x0] =	vst v32  }
0x70: {  	v32 =	vld.idx.msk [tilespmem:v62+s9+$0x0], $0xffff;
	_ =	sdelay $0x1  }
0x71: {  	v63 =	vor.u32 v6, v33;
	_ =	sdelay $0x2  }
0x72: {  	v32 =	vadd.s32 s12, v32  }
0x73: {  	[tilespmem:s13+$0x10] =	vst v32  }
0x74: {  	v32 =	vld.idx.msk [tilespmem:v63+s9+$0x0], $0xffff;
	_ =	sdelay $0x1  }
0x75: {  	v33 =	vor.u32 v7, v33;
	_ =	sdelay $0x2  }
0x76: {  	v32 =	vadd.s32 s12, v32  }
0x77: {  	[tilespmem:s13+$0x20] =	vst v32  }
0x78: {  	v32 =	vld.idx.msk [tilespmem:v33+s9+$0x0], $0xffff  }
0x79: {  	p1 =	por $0x1, $0x1  }
.Ltmp1:
0x7a: {  	_ = 	snop;
	(pc) =	sbr.rel @!p1 .LBB2_7-.Ltmp1, $3  }
0x7b: {  	_ =	sdelay $0x1  }
0x7c: {  	p0 =	por $0x0, $0x0;
	p2 =	por $0x0, $0x0;
	s11 =	simm.s32 $0x10D70;
	v33 =	vadd.s32 s12, v32;
	v32 =	vmov s9  }
0x7d: {  	s10 =	simm.s32 $0x1;
	s12 =	simm.s32 $0x0;
	[tilespmem:s13+$0x30] =	vst v33;
	v34 =	vmov v32;
	s13 =	simm.s32 $0x10D70  }
0x7e: {  	v33 =	vand.u32 $0x7F, v32  }
0x7f: {  	v33 =	vbroadcast v33, $0x0;
	_ =	sdelay $0x1  }
0x80: {  	v34 =	vor.u32 v8, v33;
	_ =	sdelay $0x4  }
0x81: {  	v34 =	vld.idx.msk [tilespmem:v34+s9+$0x0], $0xffff;
	_ =	sdelay $0x1  }
0x82: {  	v35 =	vor.u32 v9, v33;
	_ =	sdelay $0x2  }
0x83: {  	v34 =	vadd.s32 s9, v34  }
0x84: {  	[tilespmem:s11+$0xFFFFFF90] =	vst v34  }
0x85: {  	v34 =	vld.idx.msk [tilespmem:v35+s9+$0x0], $0xffff;
	_ =	sdelay $0x1  }
0x86: {  	v59 =	vor.u32 v10, v33;
	_ =	sdelay $0x2  }
0x87: {  	v34 =	vadd.s32 s9, v34  }
0x88: {  	[tilespmem:s11+$0xFFFFFFA0] =	vst v34  }
0x89: {  	v34 =	vld.idx.msk [tilespmem:v59+s9+$0x0], $0xffff;
	_ =	sdelay $0x1  }
0x8a: {  	v60 =	vor.u32 v11, v33;
	_ =	sdelay $0x2  }
0x8b: {  	v34 =	vadd.s32 s9, v34  }
0x8c: {  	[tilespmem:s11+$0xFFFFFFB0] =	vst v34  }
0x8d: {  	v34 =	vld.idx.msk [tilespmem:v60+s9+$0x0], $0xffff;
	_ =	sdelay $0x1  }
0x8e: {  	v61 =	vor.u32 v12, v33;
	_ =	sdelay $0x2  }
0x8f: {  	v34 =	vadd.s32 s9, v34  }
0x90: {  	[tilespmem:s11+$0xFFFFFFC0] =	vst v34  }
0x91: {  	v34 =	vld.idx.msk [tilespmem:v61+s9+$0x0], $0xffff;
	_ =	sdelay $0x1  }
0x92: {  	v62 =	vor.u32 v13, v33;
	_ =	sdelay $0x2  }
0x93: {  	v34 =	vadd.s32 s9, v34  }
0x94: {  	[tilespmem:s11+$0xFFFFFFD0] =	vst v34  }
0x95: {  	v34 =	vld.idx.msk [tilespmem:v62+s9+$0x0], $0xffff;
	_ =	sdelay $0x1  }
0x96: {  	v63 =	vor.u32 v14, v33;
	_ =	sdelay $0x2  }
0x97: {  	v34 =	vadd.s32 s9, v34  }
0x98: {  	[tilespmem:s11+$0xFFFFFFE0] =	vst v34  }
0x99: {  	v34 =	vld.idx.msk [tilespmem:v63+s9+$0x0], $0xffff  }
0x9a: {  	p3 =	por $0x1, $0x1  }
.Ltmp2:
0x9b: {  	v33 =	vor.u32 v15, v33;
	(pc) =	sbr.rel @!p3 .LBB2_5-.Ltmp2, $3  }
0x9c: {  	_ =	sdelay $0x1  }
0x9d: {  	s14 =	simm.s32 $0x2;
	v35 =	vadd.s32 s9, v34  }
0x9e: {  	p2 =	por $0x1, $0x1;
	s12 =	simm.s32 $0x0;
	s13 =	simm.s32 $0x10D70;
	v34 =	vmov s10;
	[tilespmem:s11+$0xFFFFFFF0] =	vst v35  }
.LBB2_6:
0x9f: {  	p3 =	sne.s32 s14, $0x19;
	v34 =	vand.u32 $0x7F, v34;
	v33 =	vld.idx.msk [tilespmem:v33+s9+$0x0], $0xffff  }
0xa0: {  	v34 =	vbroadcast v34, $0x0;
	_ =	sdelay $0x1  }
0xa1: {  	v35 =	vor.u32 v8, v34;
	_ =	sdelay $0x2  }
0xa2: {  	v33 =	vadd.s32 s12, v33  }
0xa3: {  	[tilespmem:s13+$0x0] =	vst v33  }
0xa4: {  	v33 =	vld.idx.msk [tilespmem:v35+s9+$0x0], $0xffff;
	_ =	sdelay $0x2  }
0xa5: {  	v35 =	vor.u32 v9, v34;
	_ =	sdelay $0x1  }
0xa6: {  	s12 =	sadd.s32 $0x186A0, s12  }
0xa7: {  	s13 =	sadd.s32 $0x80, s13;
	v33 =	vadd.s32 s12, v33  }
0xa8: {  	[tilespmem:s13+$0xFFFFFF90] =	vst v33  }
0xa9: {  	v33 =	vld.idx.msk [tilespmem:v35+s9+$0x0], $0xffff;
	_ =	sdelay $0x2  }
0xaa: {  	v35 =	vor.u32 v10, v34;
	_ =	sdelay $0x2  }
0xab: {  	v33 =	vadd.s32 s12, v33  }
0xac: {  	[tilespmem:s13+$0xFFFFFFA0] =	vst v33  }
0xad: {  	v33 =	vld.idx.msk [tilespmem:v35+s9+$0x0], $0xffff;
	_ =	sdelay $0x2  }
0xae: {  	v35 =	vor.u32 v11, v34;
	_ =	sdelay $0x2  }
0xaf: {  	v33 =	vadd.s32 s12, v33  }
0xb0: {  	[tilespmem:s13+$0xFFFFFFB0] =	vst v33  }
0xb1: {  	v33 =	vld.idx.msk [tilespmem:v35+s9+$0x0], $0xffff;
	_ =	sdelay $0x2  }
0xb2: {  	v35 =	vor.u32 v12, v34;
	_ =	sdelay $0x2  }
0xb3: {  	v33 =	vadd.s32 s12, v33  }
0xb4: {  	[tilespmem:s13+$0xFFFFFFC0] =	vst v33  }
0xb5: {  	v33 =	vld.idx.msk [tilespmem:v35+s9+$0x0], $0xffff;
	_ =	sdelay $0x2  }
0xb6: {  	v35 =	vor.u32 v13, v34;
	_ =	sdelay $0x2  }
0xb7: {  	v33 =	vadd.s32 s12, v33  }
0xb8: {  	[tilespmem:s13+$0xFFFFFFD0] =	vst v33  }
0xb9: {  	v33 =	vld.idx.msk [tilespmem:v35+s9+$0x0], $0xffff;
	_ =	sdelay $0x2  }
0xba: {  	v35 =	vor.u32 v14, v34;
	_ =	sdelay $0x2  }
0xbb: {  	v33 =	vadd.s32 s12, v33  }
0xbc: {  	[tilespmem:s13+$0xFFFFFFE0] =	vst v33  }
0xbd: {  	v35 =	vld.idx.msk [tilespmem:v35+s9+$0x0], $0xffff;
	_ =	sdelay $0x2  }
.Ltmp3:
0xbe: {  	v33 =	vor.u32 v15, v34;
	(pc) =	sbr.rel @p3 .LBB2_6-.Ltmp3, $3  }
0xbf: {  	_ =	sdelay $0x1  }
0xc0: {  	v35 =	vadd.s32 s12, v35  }
0xc1: {  	v34 =	vmov s14;
	s14 =	sadd.s32 $0x1, s14;
	[tilespmem:s13+$0xFFFFFFF0] =	vst v35  }
.LBB2_7:
0xc2: {  	_ =	sdelay $0x2  }
0xc3: {  	v34 =	vand.u32 $0x7F, v34  }
0xc4: {  	v33 =	vld.idx.msk @p2 [tilespmem:v33+s9+$0x0], $0xffff;
	v34 =	vbroadcast v34, $0x0;
	_ =	sdelay $0x1  }
0xc5: {  	v35 =	vor.u32 v8, v34;
	_ =	sdelay $0x2  }
0xc6: {  	v33 =	vadd.s32 @p2 s12, v33  }
0xc7: {  	[tilespmem:s13+$0x0] =	vst @p2 v33  }
0xc8: {  	v33 =	vld.idx.msk [tilespmem:v35+s9+$0x0], $0xffff;
	_ =	sdelay $0x1  }
0xc9: {  	v58 =	vor.u32 v9, v34  }
0xca: {  	s14 =	simm.s32 $0x0;
	s12 =	sadd.s32 @p2 $0x186A0, s12  }
0xcb: {  	s14 =	smov.u32 @p2 s12;
	s12 =	sadd.s32 @p2 $0x80, s13  }
0xcc: {  	s11 =	smov.u32 @p2 s12;
	v33 =	vadd.s32 s14, v33  }
0xcd: {  	[tilespmem:s11+$0xFFFFFF90] =	vst v33  }
0xce: {  	v33 =	vld.idx.msk [tilespmem:v58+s9+$0x0], $0xffff;
	_ =	sdelay $0x1  }
0xcf: {  	v59 =	vor.u32 v10, v34;
	_ =	sdelay $0x2  }
0xd0: {  	v33 =	vadd.s32 s14, v33  }
0xd1: {  	[tilespmem:s11+$0xFFFFFFA0] =	vst v33  }
0xd2: {  	v33 =	vld.idx.msk [tilespmem:v59+s9+$0x0], $0xffff;
	_ =	sdelay $0x1  }
0xd3: {  	v60 =	vor.u32 v11, v34;
	_ =	sdelay $0x2  }
0xd4: {  	v33 =	vadd.s32 s14, v33  }
0xd5: {  	[tilespmem:s11+$0xFFFFFFB0] =	vst v33  }
0xd6: {  	v33 =	vld.idx.msk [tilespmem:v60+s9+$0x0], $0xffff;
	_ =	sdelay $0x1  }
0xd7: {  	v61 =	vor.u32 v12, v34;
	_ =	sdelay $0x2  }
0xd8: {  	v33 =	vadd.s32 s14, v33  }
0xd9: {  	[tilespmem:s11+$0xFFFFFFC0] =	vst v33  }
0xda: {  	v33 =	vld.idx.msk [tilespmem:v61+s9+$0x0], $0xffff;
	_ =	sdelay $0x1  }
0xdb: {  	v62 =	vor.u32 v13, v34;
	_ =	sdelay $0x2  }
0xdc: {  	v33 =	vadd.s32 s14, v33  }
0xdd: {  	[tilespmem:s11+$0xFFFFFFD0] =	vst v33  }
0xde: {  	v33 =	vld.idx.msk [tilespmem:v62+s9+$0x0], $0xffff;
	_ =	sdelay $0x1  }
0xdf: {  	v63 =	vor.u32 v14, v34;
	_ =	sdelay $0x2  }
0xe0: {  	v33 =	vadd.s32 s14, v33  }
0xe1: {  	[tilespmem:s11+$0xFFFFFFE0] =	vst v33  }
0xe2: {  	v33 =	vld.idx.msk [tilespmem:v63+s9+$0x0], $0xffff;
	_ =	sdelay $0x1  }
0xe3: {  	v34 =	vor.u32 v15, v34;
	_ =	sdelay $0x2  }
0xe4: {  	v33 =	vadd.s32 s14, v33  }
0xe5: {  	[tilespmem:s11+$0xFFFFFFF0] =	vst v33  }
0xe6: {  	v33 =	vld.idx.msk [tilespmem:v34+s9+$0x0], $0xffff;
	_ =	sdelay $0x1  }
.Ltmp4:
0xe7: {  	_ = 	snop;
	(pc) =	sbr.rel @!p1 .LBB2_8-.Ltmp4, $3  }
0xe8: {  	_ =	sdelay $0x1  }
0xe9: {  	v33 =	vadd.s32 s14, v33  }
0xea: {  	[tilespmem:s11+$0x0] =	vst v33;
	s11 =	simm.s32 $0x11A70  }
0xeb: {  	v32 =	vand.u32 $0x7F, v32  }
0xec: {  	v32 =	vbroadcast v32, $0x0;
	_ =	sdelay $0x1  }
0xed: {  	v33 =	vor.u32 v16, v32;
	_ =	sdelay $0x3  }
0xee: {  	s12 =	simm.s32 $0x0  }
0xef: {  	v33 =	vld.idx.msk [tilespmem:v33+s12+$0x0], $0xffff;
	_ =	sdelay $0x1  }
0xf0: {  	v34 =	vor.u32 v17, v32;
	_ =	sdelay $0x2  }
0xf1: {  	v33 =	vadd.s32 s9, v33  }
0xf2: {  	[tilespmem:s11+$0xFFFFFF90] =	vst v33  }
0xf3: {  	v33 =	vld.idx.msk [tilespmem:v34+s12+$0x0], $0xffff;
	_ =	sdelay $0x1  }
0xf4: {  	v59 =	vor.u32 v18, v32;
	_ =	sdelay $0x2  }
0xf5: {  	v33 =	vadd.s32 s9, v33  }
0xf6: {  	[tilespmem:s11+$0xFFFFFFA0] =	vst v33  }
0xf7: {  	v33 =	vld.idx.msk [tilespmem:v59+s12+$0x0], $0xffff;
	_ =	sdelay $0x1  }
0xf8: {  	v60 =	vor.u32 v19, v32;
	_ =	sdelay $0x2  }
0xf9: {  	v33 =	vadd.s32 s9, v33  }
0xfa: {  	[tilespmem:s11+$0xFFFFFFB0] =	vst v33  }
0xfb: {  	v33 =	vld.idx.msk [tilespmem:v60+s12+$0x0], $0xffff;
	_ =	sdelay $0x1  }
0xfc: {  	v61 =	vor.u32 v20, v32;
	_ =	sdelay $0x2  }
0xfd: {  	v33 =	vadd.s32 s9, v33  }
0xfe: {  	[tilespmem:s11+$0xFFFFFFC0] =	vst v33  }
0xff: {  	v33 =	vld.idx.msk [tilespmem:v61+s12+$0x0], $0xffff;
	_ =	sdelay $0x1  }
0x100: {  	v62 =	vor.u32 v21, v32;
	_ =	sdelay $0x2  }
0x101: {  	v33 =	vadd.s32 s9, v33  }
0x102: {  	[tilespmem:s11+$0xFFFFFFD0] =	vst v33  }
0x103: {  	v33 =	vld.idx.msk [tilespmem:v62+s12+$0x0], $0xffff;
	_ =	sdelay $0x1  }
0x104: {  	v63 =	vor.u32 v22, v32;
	_ =	sdelay $0x2  }
0x105: {  	v33 =	vadd.s32 s9, v33  }
0x106: {  	[tilespmem:s11+$0xFFFFFFE0] =	vst v33  }
0x107: {  	v33 =	vld.idx.msk [tilespmem:v63+s12+$0x0], $0xffff;
	_ =	sdelay $0x3  }
0x108: {  	p1 =	por $0x1, $0x1  }
.Ltmp5:
0x109: {  	v34 =	vadd.s32 s9, v33;
	v33 =	vor.u32 v23, v32;
	(pc) =	sbr.rel @!p1 .LBB2_10-.Ltmp5, $3  }
0x10a: {  	_ =	sdelay $0x1  }
0x10b: {  	s15 =	simm.s32 $0x2  }
0x10c: {  	p0 =	por $0x1, $0x1;
	s13 =	simm.s32 $0x0;
	s14 =	simm.s32 $0x11A70;
	v32 =	vmov s10;
	[tilespmem:s11+$0xFFFFFFF0] =	vst v34  }
.LBB2_11:
0x10d: {  	p1 =	sne.s32 s15, $0x19;
	v32 =	vand.u32 $0x7F, v32;
	v33 =	vld.idx.msk [tilespmem:v33+s12+$0x0], $0xffff  }
0x10e: {  	v32 =	vbroadcast v32, $0x0;
	_ =	sdelay $0x1  }
0x10f: {  	v34 =	vor.u32 v16, v32;
	_ =	sdelay $0x2  }
0x110: {  	v33 =	vadd.s32 s13, v33  }
0x111: {  	[tilespmem:s14+$0x0] =	vst v33  }
0x112: {  	v33 =	vld.idx.msk [tilespmem:v34+s12+$0x0], $0xffff;
	_ =	sdelay $0x2  }
0x113: {  	v34 =	vor.u32 v17, v32;
	_ =	sdelay $0x1  }
0x114: {  	s13 =	sadd.s32 $0x186A0, s13  }
0x115: {  	s14 =	sadd.s32 $0x80, s14;
	v33 =	vadd.s32 s13, v33  }
0x116: {  	[tilespmem:s14+$0xFFFFFF90] =	vst v33  }
0x117: {  	v33 =	vld.idx.msk [tilespmem:v34+s12+$0x0], $0xffff;
	_ =	sdelay $0x2  }
0x118: {  	v34 =	vor.u32 v18, v32;
	_ =	sdelay $0x2  }
0x119: {  	v33 =	vadd.s32 s13, v33  }
0x11a: {  	[tilespmem:s14+$0xFFFFFFA0] =	vst v33  }
0x11b: {  	v33 =	vld.idx.msk [tilespmem:v34+s12+$0x0], $0xffff;
	_ =	sdelay $0x2  }
0x11c: {  	v34 =	vor.u32 v19, v32;
	_ =	sdelay $0x2  }
0x11d: {  	v33 =	vadd.s32 s13, v33  }
0x11e: {  	[tilespmem:s14+$0xFFFFFFB0] =	vst v33  }
0x11f: {  	v33 =	vld.idx.msk [tilespmem:v34+s12+$0x0], $0xffff;
	_ =	sdelay $0x2  }
0x120: {  	v34 =	vor.u32 v20, v32;
	_ =	sdelay $0x2  }
0x121: {  	v33 =	vadd.s32 s13, v33  }
0x122: {  	[tilespmem:s14+$0xFFFFFFC0] =	vst v33  }
0x123: {  	v33 =	vld.idx.msk [tilespmem:v34+s12+$0x0], $0xffff;
	_ =	sdelay $0x2  }
0x124: {  	v34 =	vor.u32 v21, v32;
	_ =	sdelay $0x2  }
0x125: {  	v33 =	vadd.s32 s13, v33  }
0x126: {  	[tilespmem:s14+$0xFFFFFFD0] =	vst v33  }
0x127: {  	v33 =	vld.idx.msk [tilespmem:v34+s12+$0x0], $0xffff;
	_ =	sdelay $0x2  }
0x128: {  	v34 =	vor.u32 v22, v32;
	_ =	sdelay $0x2  }
0x129: {  	v33 =	vadd.s32 s13, v33  }
0x12a: {  	[tilespmem:s14+$0xFFFFFFE0] =	vst v33  }
0x12b: {  	v34 =	vld.idx.msk [tilespmem:v34+s12+$0x0], $0xffff;
	_ =	sdelay $0x2  }
.Ltmp6:
0x12c: {  	v33 =	vor.u32 v23, v32;
	(pc) =	sbr.rel @p1 .LBB2_11-.Ltmp6, $3  }
0x12d: {  	_ =	sdelay $0x1  }
0x12e: {  	v34 =	vadd.s32 s13, v34  }
0x12f: {  	v32 =	vmov s15;
	s15 =	sadd.s32 $0x1, s15;
	[tilespmem:s14+$0xFFFFFFF0] =	vst v34  }
.LBB2_12:
0x130: {  	_ =	sdelay $0x2  }
0x131: {  	v32 =	vand.u32 $0x7F, v32  }
0x132: {  	v33 =	vld.idx.msk @p0 [tilespmem:v33+s12+$0x0], $0xffff;
	v32 =	vbroadcast v32, $0x0;
	_ =	sdelay $0x1  }
0x133: {  	v34 =	vor.u32 v16, v32;
	_ =	sdelay $0x2  }
0x134: {  	v33 =	vadd.s32 @p0 s13, v33  }
0x135: {  	s10 =	simm.s32 $0x0;
	[tilespmem:s14+$0x0] =	vst @p0 v33  }
0x136: {  	v33 =	vld.idx.msk [tilespmem:v34+s10+$0x0], $0xffff;
	_ =	sdelay $0x1  }
0x137: {  	v58 =	vor.u32 v17, v32  }
0x138: {  	s12 =	sadd.s32 @p0 $0x186A0, s13  }
0x139: {  	s9 =	smov.u32 @p0 s12;
	s12 =	sadd.s32 @p0 $0x80, s14  }
0x13a: {  	s11 =	smov.u32 @p0 s12;
	v33 =	vadd.s32 s9, v33  }
0x13b: {  	[tilespmem:s11+$0xFFFFFF90] =	vst v33  }
0x13c: {  	v33 =	vld.idx.msk [tilespmem:v58+s10+$0x0], $0xffff;
	_ =	sdelay $0x1  }
0x13d: {  	v59 =	vor.u32 v18, v32;
	_ =	sdelay $0x2  }
0x13e: {  	v33 =	vadd.s32 s9, v33  }
0x13f: {  	[tilespmem:s11+$0xFFFFFFA0] =	vst v33  }
0x140: {  	v33 =	vld.idx.msk [tilespmem:v59+s10+$0x0], $0xffff;
	_ =	sdelay $0x1  }
0x141: {  	v60 =	vor.u32 v19, v32;
	_ =	sdelay $0x2  }
0x142: {  	v33 =	vadd.s32 s9, v33  }
0x143: {  	[tilespmem:s11+$0xFFFFFFB0] =	vst v33  }
0x144: {  	v33 =	vld.idx.msk [tilespmem:v60+s10+$0x0], $0xffff;
	_ =	sdelay $0x1  }
0x145: {  	v61 =	vor.u32 v20, v32;
	_ =	sdelay $0x2  }
0x146: {  	v33 =	vadd.s32 s9, v33  }
0x147: {  	[tilespmem:s11+$0xFFFFFFC0] =	vst v33  }
0x148: {  	v33 =	vld.idx.msk [tilespmem:v61+s10+$0x0], $0xffff;
	_ =	sdelay $0x1  }
0x149: {  	v62 =	vor.u32 v21, v32;
	_ =	sdelay $0x2  }
0x14a: {  	v33 =	vadd.s32 s9, v33  }
0x14b: {  	[tilespmem:s11+$0xFFFFFFD0] =	vst v33  }
0x14c: {  	v33 =	vld.idx.msk [tilespmem:v62+s10+$0x0], $0xffff;
	_ =	sdelay $0x1  }
0x14d: {  	v63 =	vor.u32 v22, v32;
	_ =	sdelay $0x2  }
0x14e: {  	v33 =	vadd.s32 s9, v33  }
0x14f: {  	[tilespmem:s11+$0xFFFFFFE0] =	vst v33  }
0x150: {  	v33 =	vld.idx.msk [tilespmem:v63+s10+$0x0], $0xffff;
	_ =	sdelay $0x1  }
0x151: {  	v32 =	vor.u32 v23, v32;
	_ =	sdelay $0x2  }
0x152: {  	v33 =	vadd.s32 s9, v33  }
0x153: {  	[tilespmem:s11+$0xFFFFFFF0] =	vst v33  }
0x154: {  	v32 =	vld.idx.msk [tilespmem:v32+s10+$0x0], $0xffff  }
0x155: {  	p1 =	por $0x1, $0x1  }
.Ltmp7:
0x156: {  	_ = 	snop;
	(pc) =	sbr.rel @!p1 .LBB2_13-.Ltmp7, $3  }
0x157: {  	_ =	sdelay $0x1  }
0x158: {  	v32 =	vadd.s32 s9, v32  }
0x159: {  	p0 =	por $0x0, $0x0;
	v33 =	vmov s10;
	s9 =	simm.s32 $0x12770;
	[tilespmem:s11+$0x0] =	vst v32;
	s11 =	simm.s32 $0x1  }
0x15a: {  	v32 =	vand.u32 $0x7F, v33  }
0x15b: {  	v32 =	vbroadcast v32, $0x0;
	_ =	sdelay $0x1  }
0x15c: {  	v58 =	vor.u32 v24, v32;
	_ =	sdelay $0x4  }
0x15d: {  	v33 =	vld.idx.msk [tilespmem:v58+s2+$0x0], $0xffff;
	_ =	sdelay $0x1  }
0x15e: {  	v34 =	vor.u32 v25, v32;
	_ =	sdelay $0x2  }
0x15f: {  	v33 =	vadd.s32 s10, v33  }
0x160: {  	[tilespmem:s9+$0xFFFFFF90] =	vst v33  }
0x161: {  	v33 =	vld.idx.msk [tilespmem:v34+s2+$0x0], $0xffff;
	_ =	sdelay $0x1  }
0x162: {  	v59 =	vor.u32 v26, v32;
	_ =	sdelay $0x2  }
0x163: {  	v33 =	vadd.s32 s10, v33  }
0x164: {  	[tilespmem:s9+$0xFFFFFFA0] =	vst v33  }
0x165: {  	v33 =	vld.idx.msk [tilespmem:v59+s2+$0x0], $0xffff;
	_ =	sdelay $0x1  }
0x166: {  	v60 =	vor.u32 v27, v32;
	_ =	sdelay $0x2  }
0x167: {  	v33 =	vadd.s32 s10, v33  }
0x168: {  	[tilespmem:s9+$0xFFFFFFB0] =	vst v33  }
0x169: {  	v33 =	vld.idx.msk [tilespmem:v60+s2+$0x0], $0xffff;
	_ =	sdelay $0x1  }
0x16a: {  	v61 =	vor.u32 v28, v32;
	_ =	sdelay $0x2  }
0x16b: {  	v33 =	vadd.s32 s10, v33  }
0x16c: {  	[tilespmem:s9+$0xFFFFFFC0] =	vst v33  }
0x16d: {  	v33 =	vld.idx.msk [tilespmem:v61+s2+$0x0], $0xffff;
	_ =	sdelay $0x1  }
0x16e: {  	v62 =	vor.u32 v29, v32;
	_ =	sdelay $0x2  }
0x16f: {  	v33 =	vadd.s32 s10, v33  }
0x170: {  	[tilespmem:s9+$0xFFFFFFD0] =	vst v33  }
0x171: {  	v33 =	vld.idx.msk [tilespmem:v62+s2+$0x0], $0xffff;
	_ =	sdelay $0x1  }
0x172: {  	v63 =	vor.u32 v30, v32;
	_ =	sdelay $0x2  }
0x173: {  	v33 =	vadd.s32 s10, v33  }
0x174: {  	[tilespmem:s9+$0xFFFFFFE0] =	vst v33  }
0x175: {  	v33 =	vld.idx.msk [tilespmem:v63+s2+$0x0], $0xffff  }
0x176: {  	p1 =	por $0x1, $0x1  }
.Ltmp8:
0x177: {  	v32 =	vor.u32 v31, v32;
	(pc) =	sbr.rel @!p1 .LBB2_15-.Ltmp8, $3  }
0x178: {  	_ =	sdelay $0x1  }
0x179: {  	s13 =	simm.s32 $0x2;
	v34 =	vadd.s32 s10, v33  }
0x17a: {  	p0 =	por $0x1, $0x1;
	s12 =	simm.s32 $0x12770;
	v33 =	vmov s11;
	s11 =	simm.s32 $0x0;
	[tilespmem:s9+$0xFFFFFFF0] =	vst v34  }
.LBB2_16:
0x17b: {  	p1 =	sne.s32 s13, $0x19;
	v33 =	vand.u32 $0x7F, v33;
	v32 =	vld.idx.msk [tilespmem:v32+s2+$0x0], $0xffff  }
0x17c: {  	v33 =	vbroadcast v33, $0x0;
	_ =	sdelay $0x1  }
0x17d: {  	v34 =	vor.u32 v24, v33;
	_ =	sdelay $0x2  }
0x17e: {  	v32 =	vadd.s32 s11, v32  }
0x17f: {  	[tilespmem:s12+$0x0] =	vst v32  }
0x180: {  	v32 =	vld.idx.msk [tilespmem:v34+s2+$0x0], $0xffff;
	_ =	sdelay $0x2  }
0x181: {  	v34 =	vor.u32 v25, v33;
	_ =	sdelay $0x1  }
0x182: {  	s11 =	sadd.s32 $0x186A0, s11  }
0x183: {  	s12 =	sadd.s32 $0x80, s12;
	v32 =	vadd.s32 s11, v32  }
0x184: {  	[tilespmem:s12+$0xFFFFFF90] =	vst v32  }
0x185: {  	v32 =	vld.idx.msk [tilespmem:v34+s2+$0x0], $0xffff;
	_ =	sdelay $0x2  }
0x186: {  	v34 =	vor.u32 v26, v33;
	_ =	sdelay $0x2  }
0x187: {  	v32 =	vadd.s32 s11, v32  }
0x188: {  	[tilespmem:s12+$0xFFFFFFA0] =	vst v32  }
0x189: {  	v32 =	vld.idx.msk [tilespmem:v34+s2+$0x0], $0xffff;
	_ =	sdelay $0x2  }
0x18a: {  	v34 =	vor.u32 v27, v33;
	_ =	sdelay $0x2  }
0x18b: {  	v32 =	vadd.s32 s11, v32  }
0x18c: {  	[tilespmem:s12+$0xFFFFFFB0] =	vst v32  }
0x18d: {  	v32 =	vld.idx.msk [tilespmem:v34+s2+$0x0], $0xffff;
	_ =	sdelay $0x2  }
0x18e: {  	v34 =	vor.u32 v28, v33;
	_ =	sdelay $0x2  }
0x18f: {  	v32 =	vadd.s32 s11, v32  }
0x190: {  	[tilespmem:s12+$0xFFFFFFC0] =	vst v32  }
0x191: {  	v32 =	vld.idx.msk [tilespmem:v34+s2+$0x0], $0xffff;
	_ =	sdelay $0x2  }
0x192: {  	v34 =	vor.u32 v29, v33;
	_ =	sdelay $0x2  }
0x193: {  	v32 =	vadd.s32 s11, v32  }
0x194: {  	[tilespmem:s12+$0xFFFFFFD0] =	vst v32  }
0x195: {  	v32 =	vld.idx.msk [tilespmem:v34+s2+$0x0], $0xffff;
	_ =	sdelay $0x2  }
0x196: {  	v34 =	vor.u32 v30, v33;
	_ =	sdelay $0x2  }
0x197: {  	v32 =	vadd.s32 s11, v32  }
0x198: {  	[tilespmem:s12+$0xFFFFFFE0] =	vst v32  }
0x199: {  	v34 =	vld.idx.msk [tilespmem:v34+s2+$0x0], $0xffff;
	_ =	sdelay $0x2  }
.Ltmp9:
0x19a: {  	v32 =	vor.u32 v31, v33;
	(pc) =	sbr.rel @p1 .LBB2_16-.Ltmp9, $3  }
0x19b: {  	_ =	sdelay $0x1  }
0x19c: {  	v34 =	vadd.s32 s11, v34  }
0x19d: {  	v33 =	vmov s13;
	s13 =	sadd.s32 $0x1, s13;
	[tilespmem:s12+$0xFFFFFFF0] =	vst v34  }
.LBB2_17:
0x19e: {  	_ =	sdelay $0x2  }
0x19f: {  	v33 =	vand.u32 $0x7F, v33  }
0x1a0: {  	v32 =	vld.idx.msk @p0 [tilespmem:v32+s2+$0x0], $0xffff;
	v33 =	vbroadcast v33, $0x0;
	_ =	sdelay $0x1  }
0x1a1: {  	v34 =	vor.u32 v24, v33;
	_ =	sdelay $0x2  }
0x1a2: {  	v32 =	vadd.s32 @p0 s11, v32  }
0x1a3: {  	[tilespmem:s12+$0x0] =	vst @p0 v32  }
0x1a4: {  	v32 =	vld.idx.msk [tilespmem:v34+s2+$0x0], $0xffff;
	_ =	sdelay $0x1  }
0x1a5: {  	v58 =	vor.u32 v25, v33  }
0x1a6: {  	s11 =	sadd.s32 @p0 $0x186A0, s11  }
0x1a7: {  	s10 =	smov.u32 @p0 s11;
	s11 =	sadd.s32 @p0 $0x80, s12  }
0x1a8: {  	s9 =	smov.u32 @p0 s11;
	v32 =	vadd.s32 s10, v32  }
0x1a9: {  	[tilespmem:s9+$0xFFFFFF90] =	vst v32  }
0x1aa: {  	v32 =	vld.idx.msk [tilespmem:v58+s2+$0x0], $0xffff;
	_ =	sdelay $0x1  }
0x1ab: {  	v59 =	vor.u32 v26, v33;
	_ =	sdelay $0x2  }
0x1ac: {  	v32 =	vadd.s32 s10, v32  }
0x1ad: {  	[tilespmem:s9+$0xFFFFFFA0] =	vst v32  }
0x1ae: {  	v32 =	vld.idx.msk [tilespmem:v59+s2+$0x0], $0xffff;
	_ =	sdelay $0x1  }
0x1af: {  	v60 =	vor.u32 v27, v33;
	_ =	sdelay $0x2  }
0x1b0: {  	v32 =	vadd.s32 s10, v32  }
0x1b1: {  	[tilespmem:s9+$0xFFFFFFB0] =	vst v32  }
0x1b2: {  	v32 =	vld.idx.msk [tilespmem:v60+s2+$0x0], $0xffff;
	_ =	sdelay $0x1  }
0x1b3: {  	v61 =	vor.u32 v28, v33;
	_ =	sdelay $0x2  }
0x1b4: {  	v32 =	vadd.s32 s10, v32  }
0x1b5: {  	[tilespmem:s9+$0xFFFFFFC0] =	vst v32  }
0x1b6: {  	v32 =	vld.idx.msk [tilespmem:v61+s2+$0x0], $0xffff;
	_ =	sdelay $0x1  }
0x1b7: {  	v62 =	vor.u32 v29, v33;
	_ =	sdelay $0x2  }
0x1b8: {  	v32 =	vadd.s32 s10, v32  }
0x1b9: {  	[tilespmem:s9+$0xFFFFFFD0] =	vst v32  }
0x1ba: {  	v32 =	vld.idx.msk [tilespmem:v62+s2+$0x0], $0xffff;
	_ =	sdelay $0x1  }
0x1bb: {  	v63 =	vor.u32 v30, v33;
	_ =	sdelay $0x2  }
0x1bc: {  	v32 =	vadd.s32 s10, v32  }
0x1bd: {  	[tilespmem:s9+$0xFFFFFFE0] =	vst v32  }
0x1be: {  	v32 =	vld.idx.msk [tilespmem:v63+s2+$0x0], $0xffff;
	_ =	sdelay $0x1  }
0x1bf: {  	v33 =	vor.u32 v31, v33;
	_ =	sdelay $0x2  }
0x1c0: {  	v32 =	vadd.s32 s10, v32  }
0x1c1: {  	[tilespmem:s9+$0xFFFFFFF0] =	vst v32  }
0x1c2: {  	v32 =	vld.idx.msk [tilespmem:v33+s2+$0x0], $0xffff;
	_ =	sdelay $0x4  }
0x1c3: {  	s8 =	sadd.s32 $0x1, s8;
	v32 =	vadd.s32 s10, v32  }
0x1c4: {  	p0 =	sne.s32 s8, s5;
	[tilespmem:s9+$0x0] =	vst v32  }
0x1c5: {  	[hbm4b:s4+s2] =	stream.linear.scatter [tilespmem:s7], [sflag:$0x1], $0x3400, $0x38;
	[tilespmem:$0x13400] =	vst v63  }
.Ltmp10:
0x1c6: {  	_ = 	snop;
	(pc) =	sbr.rel @p0 .LBB2_1-.Ltmp10, $4  }
.Ltmp11:
0x1c7: {  	_ = 	snop;
	(pc) =	sbr.rel @!p0 .LBB2_18-.Ltmp11, $4  }
0x1c8: {  	_ =	swait.ge [sflag:s6], $0x3400  }
0x1c9: {  	[sflag:s6] =	ssyncset.done $0x0  }
0x1ca: {  	[sflag:s6] =	ssyncadd.s32 $0xFFFFCC00  }
0x1cb: {  	_ = 	snop  }
.LBB2_8:
.Ltmp12:
0x1cc: {  	(pc) =	sbr.rel .LBB2_12-.Ltmp12, $2  }
0x1cd: {  	_ =	sdelay $0x2  }
0x1ce: {  	s13 =	simm.s32 $0x0;
	s14 =	simm.s32 $0x11A70  }
.LBB2_13:
.Ltmp13:
0x1cf: {  	(pc) =	sbr.rel .LBB2_17-.Ltmp13, $2  }
0x1d0: {  	_ =	sdelay $0x2  }
0x1d1: {  	s11 =	simm.s32 $0x0;
	s12 =	simm.s32 $0x12770  }
.LBB2_5:
.Ltmp14:
0x1d2: {  	(pc) =	sbr.rel .LBB2_7-.Ltmp14, $2  }
0x1d3: {  	_ =	sdelay $0x2  }
0x1d4: {  	s12 =	simm.s32 $0x0;
	s13 =	simm.s32 $0x10D70  }
.LBB2_10:
.Ltmp15:
0x1d5: {  	(pc) =	sbr.rel .LBB2_12-.Ltmp15, $2  }
0x1d6: {  	_ =	sdelay $0x2  }
0x1d7: {  	s13 =	simm.s32 $0x0;
	s14 =	simm.s32 $0x11A70  }
.LBB2_15:
.Ltmp16:
0x1d8: {  	(pc) =	sbr.rel .LBB2_17-.Ltmp16, $2  }
0x1d9: {  	_ =	sdelay $0x2  }
0x1da: {  	s11 =	simm.s32 $0x0;
	s12 =	simm.s32 $0x12770  }
.LBB2_18:
0x1db: {  	_ =	sfence.sel $0x180000  }
0x1dc: {  	[bflag:$0x0] =	sbarrier.arrive $0xFFFF  }
0x1dd: {  	p0 =	sne.s32 s0, $0x0;
	_ =	strace $0x90000047  }
0x1de: {  	s0 =	sadd.s32 @!p0 $0x100000, s1;
	[bflag:$0x2] =	sbarrier.arrive $0xFFFF  }
0x1df: {  	[sflag:s0] =	ssyncadd.tile.s32 @!p0 $0x1;
	_ =	shalt  }
.Lfunc_end2:
_tile_overlayer_lowered:
.L_overlay_start_2:
0x1e0: {  	(tag) =	ssettag $0x2  }
0x1e1: {  	s0 =	rddreg [dreg:$0x0];
	s2 =	stileid.u32  }
0x1e2: {  	s1 =	rddreg [dreg:$0x1];
	p0 =	sne.s32 s2, $0x0  }
0x1e3: {  	s3 =	rddreg [dreg:$0x2];
	[bflag:$0x3] =	sbarrier.arrive $0xFFFF;
	s2 =	simm.s32 @!p0 $0x1C01  }
0x1e4: {  	[timem:s3], [sflag:s2] =	dma.local @!p0 [hbm:s0], s1  }
0x1e5: {  	s0 =	simm.s32 @!p0 $0x1  }
0x1e6: {  	_ =	swait.ge @!p0 [sflag:s0], s1  }
0x1e7: {  	s1 =	ssub.s32 @!p0 $0x0, s1;
	[sflag:s0] =	ssyncset.done @!p0 $0x0  }
0x1e8: {  	[sflag:s0] =	ssyncadd.s32 @!p0 s1  }
0x1e9: {  	[bflag:$0x3] =	sbarrier.arrive $0xFFFF  }
0x1ea: {  	_ =	shalt  }

// kernel: kernel.7.cloned.1.call-start
scs
__scs_entry_jumppad:
0x0: {  	(pc) =	sbr.rel $0x88, $3  }
0x1: {  	(tag) =	ssettag $0x0;
	lr =	simm.s32 $0x1  }
0x2: {  	[smem:$0x3F9E] =	sst lr;
	_ =	strace $0xD0000000  }
0x3: {  	_ = 	snop  }
0x4: {  	_ = 	snop  }
0x5: {  	_ = 	snop  }
0x6: {  	_ = 	snop  }
0x7: {  	_ = 	snop  }
__scs_overlays_trampoline_lowered:
0x8: {  	[smem:$0x3FAD] =	sst s0  }
0x9: {  	[smem:$0x3FAE] =	sst s1  }
0xa: {  	[smem:$0x3FAF] =	sst s2  }
0xb: {  	[smem:$0x3FB0] =	sst s3  }
0xc: {  	[smem:$0x3FB1] =	sst s4  }
0xd: {  	[smem:$0x3FB2] =	sst s5  }
0xe: {  	[smem:$0x3FB3] =	sst s6  }
0xf: {  	[smem:$0x3FB4] =	sst s7  }
0x10: {  	[smem:$0x3FB5] =	sst s8  }
0x11: {  	[smem:$0x3FB6] =	sst s9;
	s0 =	simm.s32 @!p0 $0x0  }
0x12: {  	s1 =	sld [smem:$0x3F9C];
	s0 =	simm.s32 @p0 $0x1  }
0x13: {  	[smem:$0x3FB7] =	sst s0;
	s0 =	simm.s32 @!p1 $0x0  }
0x14: {  	s2 =	sld [smem:$0x3F9B];
	s0 =	simm.s32 @p1 $0x1  }
0x15: {  	[smem:$0x3FB8] =	sst s0;
	s0 =	simm.s32 @!p2 $0x0  }
0x16: {  	s3 =	sld [smem:$0x3FDB];
	s0 =	simm.s32 @p2 $0x1  }
0x17: {  	s4 =	simm.s32 $0x1BF5;
	[smem:$0x3FBA] =	sst s0  }
0x18: {  	s0 =	sld [smem:$0x3F9D];
	_ =	swait.ge [sflag:s4], $0x0  }
0x19: {  	s7 =	sld [smem:$0x3F9E]  }
0x1a: {  	s8 =	sadd.s32 $0xFFFFE003, lr  }
0x1b: {  	s9 =	sadd.s32 $0xFFFFFEF7, lr;
	s5 =	simm.s32 $0xFFFFFFFF;
	p2 =	slt.u32 s8, $0xFFFFF086  }
0x1c: {  	p1 =	slt.u32 s9, $0xF7A;
	s5 =	simm.s32 @!p2 $0x0  }
0x1d: {  	s5 =	simm.s32 @p1 $0x1;
	p0 =	seq.s32 s7, s2  }
0x1e: {  	s7 =	smul.u32 @!p0 $0xF7A, s2;
	p2 =	seq.s32 @!p0 s5, $0x0  }
0x1f: {  	s9 =	smul.u32 $0xF7A, s1;
	s8 =	simm.s32 @!p0 $0x1BF5;
	p2 =	por !p2, p0  }
0x20: {  	[sflag:s8] =	ssyncset.s32 @!p0 $0xFFFFF086;
	s6 =	sadd.s32 @!p0 s3, s7;
	s7 =	simm.s32 @!p0 $0x108  }
0x21: {  	s3 =	sadd.s32 s3, s9;
	s6 =	sadd.s32 @!p0 $0x88, s6;
	s7 =	simm.s32 @p2 $0x1082  }
0x22: {  	[simem:s7], [sflag:s8] =	dma.local @!p0 [hbm:s6], $0xF7A  }
0x23: {  	s9 =	sor.u32 $0xD0000000, s2;
	s6 =	simm.s32 $0x108;
	_ =	swait.ge @!p0 [sflag:s8], $0x0  }
0x24: {  	s3 =	sadd.s32 $0x88, s3;
	s6 =	simm.s32 @!p1 $0x1082;
	[sflag:s4] =	ssyncset.s32 $0xFFFFF086  }
0x25: {  	[simem:s6], [sflag:s4] =	dma.local [hbm:s3], $0xF7A  }
0x26: {  	[smem:$0x3F9E] =	sst s1;
	(tag) =	ssettag s2;
	_ =	strace s9  }
0x27: {  	s1 =	sld [smem:$0x3FAE]  }
0x28: {  	s2 =	sld [smem:$0x3FAF]  }
0x29: {  	s4 =	sld [smem:$0x3FB1]  }
0x2a: {  	p0 =	seq.s32 s5, $0x0;
	s5 =	sld [smem:$0x3FB2]  }
0x2b: {  	s6 =	sld [smem:$0x3FB3]  }
0x2c: {  	s7 =	sld [smem:$0x3FB4]  }
0x2d: {  	s3 =	simm.s32 $0x108;
	s8 =	sld [smem:$0x3FB5]  }
0x2e: {  	s3 =	simm.s32 @!p0 $0x1082;
	s9 =	sld [smem:$0x3FB6]  }
0x2f: {  	lr =	sadd.s32 s0, s3;
	s0 =	sld [smem:$0x3FAD]  }
0x30: {  	s3 =	sld [smem:$0x3FB0]  }
0x31: {  	[smem:$0x3FB9] =	sst s10  }
0x32: {  	s10 =	sld [smem:$0x3FB7];
	_ =	sdelay $0x3  }
0x33: {  	p0 =	seq.s32 s10, $0x1;
	s10 =	sld [smem:$0x3FB9];
	_ =	sdelay $0x3  }
0x34: {  	[smem:$0x3FB9] =	sst s10  }
0x35: {  	s10 =	sld [smem:$0x3FB8];
	_ =	sdelay $0x3  }
0x36: {  	p1 =	seq.s32 s10, $0x1;
	s10 =	sld [smem:$0x3FB9];
	_ =	sdelay $0x3  }
0x37: {  	[smem:$0x3FB9] =	sst s10  }
0x38: {  	s10 =	sld [smem:$0x3FBA]  }
0x39: {  	_ = 	snop;
	(pc) =	sbr.ind lr, $3  }
0x3a: {  	_ = 	snop  }
0x3b: {  	_ = 	snop  }
0x3c: {  	p2 =	seq.s32 s10, $0x1;
	s10 =	sld [smem:$0x3FB9]  }
0x3d: {  	_ =	shalt  }
0x3e: {  	_ =	shalt  }
0x3f: {  	_ =	shalt  }
0x40: {  	_ =	shalt  }
0x41: {  	_ =	shalt  }
0x42: {  	_ =	shalt  }
0x43: {  	_ =	shalt  }
0x44: {  	_ =	shalt  }
0x45: {  	_ =	shalt  }
0x46: {  	_ =	shalt  }
0x47: {  	_ =	shalt  }
0x48: {  	_ =	shalt  }
0x49: {  	_ =	shalt  }
0x4a: {  	_ =	shalt  }
0x4b: {  	_ =	shalt  }
0x4c: {  	_ =	shalt  }
0x4d: {  	_ =	shalt  }
0x4e: {  	_ =	shalt  }
0x4f: {  	_ =	shalt  }
0x50: {  	_ =	shalt  }
0x51: {  	_ =	shalt  }
0x52: {  	_ =	shalt  }
0x53: {  	_ =	shalt  }
0x54: {  	_ =	shalt  }
0x55: {  	_ =	shalt  }
0x56: {  	_ =	shalt  }
0x57: {  	_ =	shalt  }
0x58: {  	_ =	shalt  }
0x59: {  	_ =	shalt  }
0x5a: {  	_ =	shalt  }
0x5b: {  	_ =	shalt  }
0x5c: {  	_ =	shalt  }
0x5d: {  	_ =	shalt  }
0x5e: {  	_ =	shalt  }
0x5f: {  	_ =	shalt  }
0x60: {  	_ =	shalt  }
0x61: {  	_ =	shalt  }
0x62: {  	_ =	shalt  }
0x63: {  	_ =	shalt  }
0x64: {  	_ =	shalt  }
0x65: {  	_ =	shalt  }
0x66: {  	_ =	shalt  }
0x67: {  	_ =	shalt  }
0x68: {  	_ =	shalt  }
0x69: {  	_ =	shalt  }
0x6a: {  	_ =	shalt  }
0x6b: {  	_ =	shalt  }
0x6c: {  	_ =	shalt  }
0x6d: {  	_ =	shalt  }
0x6e: {  	_ =	shalt  }
0x6f: {  	_ =	shalt  }
0x70: {  	_ =	shalt  }
0x71: {  	_ =	shalt  }
0x72: {  	_ =	shalt  }
0x73: {  	_ =	shalt  }
0x74: {  	_ =	shalt  }
0x75: {  	_ =	shalt  }
0x76: {  	_ =	shalt  }
0x77: {  	_ =	shalt  }
0x78: {  	_ =	shalt  }
0x79: {  	_ =	shalt  }
0x7a: {  	_ =	shalt  }
0x7b: {  	_ =	shalt  }
0x7c: {  	_ =	shalt  }
0x7d: {  	_ =	shalt  }
0x7e: {  	_ =	shalt  }
0x7f: {  	_ =	shalt  }
0x80: {  	_ =	shalt  }
0x81: {  	_ =	shalt  }
0x82: {  	_ =	shalt  }
0x83: {  	_ =	shalt  }
0x84: {  	_ =	shalt  }
0x85: {  	_ =	shalt  }
0x86: {  	_ =	shalt  }
0x87: {  	_ =	shalt  }
.Lfunc_end0:
.L_simem_size_0:
called_computation.1_lowered:
.L_overlay_start_0:
0x88: {  	s2 =	sld [smem:$0x3FD9]  }
0x89: {  	s3 =	sld [smem:$0x3FFE];
	_ =	sdelay $0x1  }
0x8a: {  	s1 =	srdreg.scid  }
0x8b: {  	s0 =	sand.u32 $0x1, s1  }
0x8c: {  	s17 =	sshll.u32 s0, $0xA;
	s2 =	sadd.s32 s3, s2  }
0x8d: {  	s2 =	sadd.s32 s2, s17  }
0x8e: {  	[smem:$0x3FC5] =	sst s2  }
0x8f: {  	_ = 	snop  }
0x90: {  	s2 =	sld [smem:$0x3FD0];
	(tm) =	ssettm $0x1  }
0x91: {  	s18 =	sld [smem:$0x3FFB];
	_ =	sdelay $0x3  }
0x92: {  	_ =	strace s18  }
0x93: {  	s3 =	sld [smem:$0x3FFC];
	_ =	sdelay $0x3  }
0x94: {  	_ =	strace s3  }
0x95: {  	s3 =	sld [smem:$0x3FFD];
	_ =	sdelay $0x3  }
0x96: {  	_ =	strace s3  }
0x97: {  	_ =	strace $0x8FFFFFFF  }
0x98: {  	s19 =	sld [smem:$0x3FDB];
	_ =	sdelay $0x1  }
0x99: {  	s4 =	simm.s32 $_scs_section_size  }
0x9a: {  	s5 =	simm.s32 $_size__tile_overlayer_lowered;
	s6 =	simm.s32 $_tile_overlayer_lowered  }
0x9b: {  	s22 =	simm.s32 $0x1BFF;
	s21 =	sshll.u32 s6, $0x1;
	s3 =	sadd.s32 s4, s19  }
0x9c: {  	s7 =	simm.s32 $0x0;
	s20 =	sshll.u32 s5, $0x1;
	s5 =	sadd.s32 s21, s3  }
0x9d: {  	[timem:s7], [sflag:s22] =	dma.local [hbm:s5], s20  }
0x9e: {  	_ =	swait.ge [sflag:s22], s20  }
0x9f: {  	s4 =	ssub.s32 $0x0, s20;
	[sflag:s22] =	ssyncset.done $0x0  }
0xa0: {  	[sflag:s22] =	ssyncadd.s32 s4;
	_ =	sdelay $0x1  }
0xa1: {  	s23 =	simm.s32 $0x1B8B  }
0xa2: {  	_ =	swait.ge [sflag:s23], $0x1  }
0xa3: {  	[sflag:s23] =	ssyncset.done $0x0  }
0xa4: {  	s25 =	simm.s32 $0x1B8E;
	s24 =	sld [smem:$0x3FFE];
	[sflag:s23] =	ssyncadd.s32 $0xFFFFFFFF  }
0xa5: {  	s26 =	simm.s32 $execute0_lowered;
	[smem:$0x3FD2] =	sst s25  }
0xa6: {  	s5 =	sshll.u32 s26, $0x1;
	_ =	strace $0x80000049;
	[dreg:$0x1] =	wrdreg $0xFFFFFFFF  }
0xa7: {  	s28 =	simm.s32 $_size_execute0_lowered;
	s3 =	sadd.s32 s3, s5;
	[dreg:$0x0] =	wrdreg $0x0  }
0xa8: {  	s5 =	sshll.u32 s28, $0x1;
	[dreg:$0x2] =	wrdreg s3  }
0xa9: {  	[dreg:$0x3] =	wrdreg s5  }
0xaa: {  	[dreg:$0x4] =	wrdreg $0xC0  }
0xab: {  	_ =	task [dreg:s7], $0x5FFFF  }
0xac: {  	[dreg:$0x1] =	wrdreg $0xFFFFFFFF  }
0xad: {  	[dreg:$0x0] =	wrdreg $0x60  }
0xae: {  	[dreg:$0x2] =	wrdreg s24  }
0xaf: {  	[dreg:$0x3] =	wrdreg s2  }
0xb0: {  	[dreg:$0x4] =	wrdreg $0x9  }
0xb1: {  	_ =	task.clear_ibuf [dreg:s7], $0x5FFFF;
	_ =	strace $0x90000049  }
0xb2: {  	s29 =	simm.s32 $0x9;
	_ =	strace $0x8000004B  }
0xb3: {  	_ =	swait.ge [sflag:s29], $0x1  }
0xb4: {  	[sflag:s29] =	ssyncadd.s32 $0xFFFFFFFF  }
0xb5: {  	_ =	strace $0x9000004B  }
0xb6: {  	_ =	sfence  }
0xb7: {  	s30 =	sld [smem:$0x0];
	_ =	sdelay $0x2  }
0xb8: {  	s31 =	sshll.u32 s1, $0xD;
	s1 =	sshrl.u32 s1, $0x2  }
0xb9: {  	s3 =	sand.u32 $0x4000, s31;
	s1 =	sadd.s32 s1, s30  }
0xba: {  	s0 =	sor.u32 s3, s0;
	s1 =	sshll.u32 s1, $0x11  }
0xbb: {  	s0 =	sor.u32 s1, s0  }
0xbc: {  	s0 =	sadd.s32 $0x8F2B, s0  }
0xbd: {  	[sflag:s0] =	ssyncadd.remote.s32 $0x1  }
0xbe: {  	_ =	sfence.sel $0xFFFF  }
0xbf: {  	[dreg:$0x0] =	wrdreg $0xFFFFFFFF;
	(pc) =	sbr.abs _section_cstart, $3  }
0xc0: {  	[dreg:$0x1] =	wrdreg $0xFFFFFFFF  }
0xc1: {  	_ =	task.clear_ibuf [dreg:s7], $0x2FFFF;
	_ =	strace $0x9FFFFFFF  }
0xc2: {  	(tm) =	ssettm $0x7FFFFFFF  }
0xc3: {  	_ =	shalt  }
tec
execute0_lowered:
.L_overlay_start_1:
0x0: {  	(tag) =	ssettag $0x1  }
0x1: {  	s1 =	srdreg.scid;
	s3 =	rddreg [dreg:$0x0]  }
0x2: {  	s0 =	stileid.u32;
	s5 =	rddreg [dreg:$0x1];
	s2 =	simm.s32 $0x0  }
0x3: {  	s9 =	simm.s32 $0x1;
	s10 =	simm.s32 $0x6800;
	s11 =	simm.s32 $0x0  }
0x4: {  	s4 =	sand.u32 $0x1, s1;
	s31 =	sshll.u32 s0, $0x1;
	s1 =	rddreg [dreg:$0x2]  }
0x5: {  	[smem:$0x7FF] =	sst s2;
	s6 =	sor.u32 s4, s31;
	s4 =	ssub.s32 $0x2, s4  }
0x6: {  	s7 =	smul.u32 $0x680, s6;
	s8 =	sshrl.u32 s4, $0x1;
	s6 =	sshll.u32 s6, $0x6  }
0x7: {  	_ =	strace $0x8000004A;
	s8 =	ssub.s32 s4, s8;
	s5 =	sadd.s32 s5, s6  }
0x8: {  	s7 =	sadd.s32 s7, s3;
	s3 =	sadd.s32 $0x4E000, s3;
	s6 =	smax.u32 s8, $0x1  }
0x9: {  	s8 =	simm.s32 $0x80;
	s4 =	sadd.s32 $0x41000, s7;
	s7 =	simm.s32 $0x2  }
.LBB2_1:
0xa: {  	[tilespmem:s2], [sflag:$0x2] =	stream.linear.gather [hbm4b:s4+s2], $0x3400, $0x38;
	[tilespmem:$0x6A00] =	vst v63  }
0xb: {  	_ =	swait.ge [sflag:s7], $0x3400  }
0xc: {  	[sflag:s7] =	ssyncset.done $0x0  }
0xd: {  	s12 =	simm.s32 $0x0;
	[sflag:s7] =	ssyncadd.s32 $0xFFFFCC00  }
.LBB2_2:
0xe: {  	p0 =	sne.s32 s12, $0xCE00  }
.Ltmp0:
0xf: {  	_ = 	snop;
	(pc) =	sbr.rel @p0 .LBB2_2-.Ltmp0, $4  }
0x10: {  	_ = 	snop  }
0x11: {  	s13 =	sshra.s32 s12, $0x2  }
0x12: {  	s12 =	sadd.s32 $0x200, s12;
	s14 =	sadd.s32 $0x3400, s13  }
0x13: {  	[tilespmem:s14], [sflag:$0x1] =	stream.indirect.gather [hbm4b:s3+s8], $0x1, s13, s8, $0xb8;
	[tilespmem:$0x6A00] =	vst v63  }
0x14: {  	s12 =	simm.s32 $0x68  }
.LBB2_4:
0x15: {  	p0 =	sne.s32 s12, $0x1  }
.Ltmp1:
0x16: {  	_ = 	snop;
	(pc) =	sbr.rel @p0 .LBB2_4-.Ltmp1, $4  }
0x17: {  	_ = 	snop  }
0x18: {  	_ =	swait.ge [sflag:s9], $0x80  }
0x19: {  	[sflag:s9] =	ssyncset.done $0x0  }
0x1a: {  	s12 =	sadd.s32 $0xFFFFFFFF, s12;
	[sflag:s9] =	ssyncadd.s32 $0xFFFFFF80  }
0x1b: {  	s14 =	simm.s32 $0x0  }
0x1c: {  	v0 =	vld [tilespmem:s14+$0x3470]  }
0x1d: {  	v2 =	vld [tilespmem:s14+$0x3400]  }
0x1e: {  	v3 =	vld [tilespmem:s14+$0x3410]  }
0x1f: {  	v11 =	vld [tilespmem:s14+$0x3420]  }
0x20: {  	v10 =	vld [tilespmem:s14+$0x3430]  }
0x21: {  	v1 =	vimm.f32 $0.0e+00;
	v6 =	vimm.f32 $0.0e+00;
	v7 =	vld [tilespmem:s14+$0x3440]  }
0x22: {  	v8 =	vimm.f32 $0.0e+00;
	v4 =	vimm.f32 $0.0e+00;
	v9 =	vld [tilespmem:s14+$0x3450];
	v0 =	vadd.f32 v0, v1  }
0x23: {  	s12 =	simm.s32 $0x80;
	s13 =	simm.s32 $0x400;
	v12 =	vld [tilespmem:s14+$0x3460];
	v5 =	vadd.f32 v2, v1;
	v3 =	vadd.f32 v3, v1;
	v2 =	vimm.f32 $0.0e+00  }
.LBB2_6:
0x24: {  	p0 =	sne.s32 s13, $0x3200;
	v13 =	vld [tilespmem:s12+$0x3470];
	v1 =	vadd.f32 v11, v1  }
0x25: {  	v14 =	vld [tilespmem:s12+$0x3400];
	v6 =	vadd.f32 v10, v6  }
0x26: {  	v15 =	vld [tilespmem:s12+$0x3410];
	v8 =	vadd.f32 v7, v8  }
.Ltmp2:
0x27: {  	v11 =	vld [tilespmem:s12+$0x3420];
	v4 =	vadd.f32 v9, v4;
	(pc) =	sbr.rel @p0 .LBB2_6-.Ltmp2, $4  }
0x28: {  	v10 =	vld [tilespmem:s12+$0x3430];
	v2 =	vadd.f32 v12, v2  }
0x29: {  	v7 =	vld [tilespmem:s12+$0x3440];
	v0 =	vadd.f32 v13, v0  }
0x2a: {  	v5 =	vadd.f32 v14, v5;
	v9 =	vld [tilespmem:s12+$0x3450]  }
0x2b: {  	v3 =	vadd.f32 v15, v3;
	v12 =	vld [tilespmem:s12+$0x3460];
	s12 =	sshra.s32 s13, $0x2;
	s13 =	sadd.s32 $0x200, s13  }
0x2c: {  	v14 =	vld [tilespmem:s12+$0x3400]  }
0x2d: {  	v15 =	vld [tilespmem:s12+$0x3410]  }
0x2e: {  	v16 =	vld [tilespmem:s12+$0x3420]  }
0x2f: {  	v13 =	vld [tilespmem:s12+$0x3470]  }
0x30: {  	v6 =	vadd.f32 v10, v6;
	v10 =	vld [tilespmem:s12+$0x3460]  }
0x31: {  	v17 =	vld [tilespmem:s12+$0x3430];
	v1 =	vadd.f32 v11, v1;
	v5 =	vadd.f32 v14, v5  }
0x32: {  	v18 =	vld [tilespmem:s12+$0x3440];
	v3 =	vadd.f32 v15, v3  }
0x33: {  	v11 =	vld [tilespmem:s12+$0x3450];
	v2 =	vadd.f32 v12, v2;
	v1 =	vadd.f32 v16, v1;
	[tilespmem:$0x6800] =	vst v5  }
0x34: {  	v0 =	vadd.f32 v13, v0;
	[tilespmem:$0x6810] =	vst v3  }
0x35: {  	v7 =	vadd.f32 v7, v8;
	v2 =	vadd.f32 v10, v2;
	[tilespmem:$0x6820] =	vst v1  }
0x36: {  	v4 =	vadd.f32 v9, v4;
	v5 =	vadd.f32 v17, v6;
	[tilespmem:$0x6870] =	vst v0  }
0x37: {  	v3 =	vadd.f32 v18, v7;
	[tilespmem:$0x6860] =	vst v2  }
0x38: {  	v1 =	vadd.f32 v11, v4;
	[tilespmem:$0x6830] =	vst v5  }
0x39: {  	[tilespmem:$0x6840] =	vst v3  }
0x3a: {  	s14 =	simm.s32 $0x0;
	[tilespmem:$0x6850] =	vst v1  }
0x3b: {  	v0 =	vld [tilespmem:s14+$0x4170]  }
0x3c: {  	v2 =	vld [tilespmem:s14+$0x4100]  }
0x3d: {  	v3 =	vld [tilespmem:s14+$0x4110]  }
0x3e: {  	v11 =	vld [tilespmem:s14+$0x4120]  }
0x3f: {  	v10 =	vld [tilespmem:s14+$0x4130]  }
0x40: {  	v8 =	vimm.f32 $0.0e+00;
	v1 =	vimm.f32 $0.0e+00;
	v7 =	vld [tilespmem:s14+$0x4140]  }
0x41: {  	v6 =	vimm.f32 $0.0e+00;
	v4 =	vimm.f32 $0.0e+00;
	v9 =	vld [tilespmem:s14+$0x4150];
	v0 =	vadd.f32 v0, v1  }
0x42: {  	s13 =	simm.s32 $0x400;
	s12 =	simm.s32 $0x80;
	v12 =	vld [tilespmem:s14+$0x4160];
	v5 =	vadd.f32 v2, v1;
	v3 =	vadd.f32 v3, v1;
	v2 =	vimm.f32 $0.0e+00  }
.LBB2_8:
0x43: {  	p0 =	sne.s32 s13, $0x3200;
	v13 =	vld [tilespmem:s12+$0x4170];
	v1 =	vadd.f32 v11, v1  }
0x44: {  	v14 =	vld [tilespmem:s12+$0x4100];
	v6 =	vadd.f32 v10, v6  }
0x45: {  	v15 =	vld [tilespmem:s12+$0x4110];
	v8 =	vadd.f32 v7, v8  }
.Ltmp3:
0x46: {  	v11 =	vld [tilespmem:s12+$0x4120];
	v4 =	vadd.f32 v9, v4;
	(pc) =	sbr.rel @p0 .LBB2_8-.Ltmp3, $4  }
0x47: {  	v10 =	vld [tilespmem:s12+$0x4130];
	v2 =	vadd.f32 v12, v2  }
0x48: {  	v7 =	vld [tilespmem:s12+$0x4140];
	v0 =	vadd.f32 v13, v0  }
0x49: {  	v5 =	vadd.f32 v14, v5;
	v9 =	vld [tilespmem:s12+$0x4150]  }
0x4a: {  	v3 =	vadd.f32 v15, v3;
	v12 =	vld [tilespmem:s12+$0x4160];
	s12 =	sshra.s32 s13, $0x2;
	s13 =	sadd.s32 $0x200, s13  }
0x4b: {  	v14 =	vld [tilespmem:s12+$0x4100]  }
0x4c: {  	v15 =	vld [tilespmem:s12+$0x4110]  }
0x4d: {  	v16 =	vld [tilespmem:s12+$0x4120]  }
0x4e: {  	v13 =	vld [tilespmem:s12+$0x4170]  }
0x4f: {  	v6 =	vadd.f32 v10, v6;
	v10 =	vld [tilespmem:s12+$0x4160]  }
0x50: {  	v17 =	vld [tilespmem:s12+$0x4130];
	v1 =	vadd.f32 v11, v1;
	v5 =	vadd.f32 v14, v5  }
0x51: {  	v18 =	vld [tilespmem:s12+$0x4140];
	v3 =	vadd.f32 v15, v3  }
0x52: {  	v11 =	vld [tilespmem:s12+$0x4150];
	v2 =	vadd.f32 v12, v2;
	v1 =	vadd.f32 v16, v1;
	[tilespmem:$0x6880] =	vst v5  }
0x53: {  	v0 =	vadd.f32 v13, v0;
	[tilespmem:$0x6890] =	vst v3  }
0x54: {  	v7 =	vadd.f32 v7, v8;
	v2 =	vadd.f32 v10, v2;
	[tilespmem:$0x68A0] =	vst v1  }
0x55: {  	v4 =	vadd.f32 v9, v4;
	v5 =	vadd.f32 v17, v6;
	[tilespmem:$0x68F0] =	vst v0  }
0x56: {  	v3 =	vadd.f32 v18, v7;
	[tilespmem:$0x68E0] =	vst v2  }
0x57: {  	v1 =	vadd.f32 v11, v4;
	[tilespmem:$0x68B0] =	vst v5  }
0x58: {  	[tilespmem:$0x68C0] =	vst v3  }
0x59: {  	s14 =	simm.s32 $0x0;
	[tilespmem:$0x68D0] =	vst v1  }
0x5a: {  	v0 =	vld [tilespmem:s14+$0x4E70]  }
0x5b: {  	v2 =	vld [tilespmem:s14+$0x4E00]  }
0x5c: {  	v3 =	vld [tilespmem:s14+$0x4E10]  }
0x5d: {  	v11 =	vld [tilespmem:s14+$0x4E20]  }
0x5e: {  	v10 =	vld [tilespmem:s14+$0x4E30]  }
0x5f: {  	v8 =	vimm.f32 $0.0e+00;
	v1 =	vimm.f32 $0.0e+00;
	v7 =	vld [tilespmem:s14+$0x4E40]  }
0x60: {  	v6 =	vimm.f32 $0.0e+00;
	v4 =	vimm.f32 $0.0e+00;
	v9 =	vld [tilespmem:s14+$0x4E50];
	v0 =	vadd.f32 v0, v1  }
0x61: {  	s13 =	simm.s32 $0x400;
	s12 =	simm.s32 $0x80;
	v12 =	vld [tilespmem:s14+$0x4E60];
	v5 =	vadd.f32 v2, v1;
	v3 =	vadd.f32 v3, v1;
	v2 =	vimm.f32 $0.0e+00  }
.LBB2_10:
0x62: {  	p0 =	sne.s32 s13, $0x3200;
	v13 =	vld [tilespmem:s12+$0x4E70];
	v1 =	vadd.f32 v11, v1  }
0x63: {  	v14 =	vld [tilespmem:s12+$0x4E00];
	v6 =	vadd.f32 v10, v6  }
0x64: {  	v15 =	vld [tilespmem:s12+$0x4E10];
	v8 =	vadd.f32 v7, v8  }
.Ltmp4:
0x65: {  	v11 =	vld [tilespmem:s12+$0x4E20];
	v4 =	vadd.f32 v9, v4;
	(pc) =	sbr.rel @p0 .LBB2_10-.Ltmp4, $4  }
0x66: {  	v10 =	vld [tilespmem:s12+$0x4E30];
	v2 =	vadd.f32 v12, v2  }
0x67: {  	v7 =	vld [tilespmem:s12+$0x4E40];
	v0 =	vadd.f32 v13, v0  }
0x68: {  	v5 =	vadd.f32 v14, v5;
	v9 =	vld [tilespmem:s12+$0x4E50]  }
0x69: {  	v3 =	vadd.f32 v15, v3;
	v12 =	vld [tilespmem:s12+$0x4E60];
	s12 =	sshra.s32 s13, $0x2;
	s13 =	sadd.s32 $0x200, s13  }
0x6a: {  	v14 =	vld [tilespmem:s12+$0x4E00]  }
0x6b: {  	v15 =	vld [tilespmem:s12+$0x4E10]  }
0x6c: {  	v16 =	vld [tilespmem:s12+$0x4E20]  }
0x6d: {  	v13 =	vld [tilespmem:s12+$0x4E70]  }
0x6e: {  	v6 =	vadd.f32 v10, v6;
	v10 =	vld [tilespmem:s12+$0x4E60]  }
0x6f: {  	v17 =	vld [tilespmem:s12+$0x4E30];
	v1 =	vadd.f32 v11, v1;
	v5 =	vadd.f32 v14, v5  }
0x70: {  	v18 =	vld [tilespmem:s12+$0x4E40];
	v3 =	vadd.f32 v15, v3  }
0x71: {  	v11 =	vld [tilespmem:s12+$0x4E50];
	v2 =	vadd.f32 v12, v2;
	v1 =	vadd.f32 v16, v1;
	[tilespmem:$0x6900] =	vst v5  }
0x72: {  	v0 =	vadd.f32 v13, v0;
	[tilespmem:$0x6910] =	vst v3  }
0x73: {  	v7 =	vadd.f32 v7, v8;
	v2 =	vadd.f32 v10, v2;
	[tilespmem:$0x6920] =	vst v1  }
0x74: {  	v4 =	vadd.f32 v9, v4;
	v5 =	vadd.f32 v17, v6;
	[tilespmem:$0x6970] =	vst v0  }
0x75: {  	v3 =	vadd.f32 v18, v7;
	[tilespmem:$0x6960] =	vst v2  }
0x76: {  	v1 =	vadd.f32 v11, v4;
	[tilespmem:$0x6930] =	vst v5  }
0x77: {  	[tilespmem:$0x6940] =	vst v3  }
0x78: {  	s14 =	simm.s32 $0x0;
	[tilespmem:$0x6950] =	vst v1  }
0x79: {  	v0 =	vld [tilespmem:s14+$0x5B70]  }
0x7a: {  	v2 =	vld [tilespmem:s14+$0x5B00]  }
0x7b: {  	v3 =	vld [tilespmem:s14+$0x5B10]  }
0x7c: {  	v11 =	vld [tilespmem:s14+$0x5B20]  }
0x7d: {  	v10 =	vld [tilespmem:s14+$0x5B30]  }
0x7e: {  	v8 =	vimm.f32 $0.0e+00;
	v1 =	vimm.f32 $0.0e+00;
	v7 =	vld [tilespmem:s14+$0x5B40]  }
0x7f: {  	v6 =	vimm.f32 $0.0e+00;
	v4 =	vimm.f32 $0.0e+00;
	v9 =	vld [tilespmem:s14+$0x5B50];
	v0 =	vadd.f32 v0, v1  }
0x80: {  	s13 =	simm.s32 $0x400;
	s12 =	simm.s32 $0x80;
	v12 =	vld [tilespmem:s14+$0x5B60];
	v5 =	vadd.f32 v2, v1;
	v3 =	vadd.f32 v3, v1;
	v2 =	vimm.f32 $0.0e+00  }
.LBB2_12:
0x81: {  	p0 =	sne.s32 s13, $0x3200;
	v13 =	vld [tilespmem:s12+$0x5B70];
	v1 =	vadd.f32 v11, v1  }
0x82: {  	v14 =	vld [tilespmem:s12+$0x5B00];
	v6 =	vadd.f32 v10, v6  }
0x83: {  	v15 =	vld [tilespmem:s12+$0x5B10];
	v8 =	vadd.f32 v7, v8  }
.Ltmp5:
0x84: {  	v11 =	vld [tilespmem:s12+$0x5B20];
	v4 =	vadd.f32 v9, v4;
	(pc) =	sbr.rel @p0 .LBB2_12-.Ltmp5, $4  }
0x85: {  	v10 =	vld [tilespmem:s12+$0x5B30];
	v2 =	vadd.f32 v12, v2  }
0x86: {  	v7 =	vld [tilespmem:s12+$0x5B40];
	v0 =	vadd.f32 v13, v0  }
0x87: {  	v5 =	vadd.f32 v14, v5;
	v9 =	vld [tilespmem:s12+$0x5B50]  }
0x88: {  	v3 =	vadd.f32 v15, v3;
	v12 =	vld [tilespmem:s12+$0x5B60];
	s12 =	sshra.s32 s13, $0x2;
	s13 =	sadd.s32 $0x200, s13  }
0x89: {  	v14 =	vld [tilespmem:s12+$0x5B00]  }
0x8a: {  	v15 =	vld [tilespmem:s12+$0x5B10]  }
0x8b: {  	v16 =	vld [tilespmem:s12+$0x5B20]  }
0x8c: {  	v17 =	vld [tilespmem:s12+$0x5B30]  }
0x8d: {  	v18 =	vld [tilespmem:s12+$0x5B40]  }
0x8e: {  	v1 =	vadd.f32 v11, v1;
	v59 =	vld [tilespmem:s12+$0x5B50];
	v5 =	vadd.f32 v14, v5  }
0x8f: {  	v13 =	vld [tilespmem:s12+$0x5B70];
	v6 =	vadd.f32 v10, v6;
	v3 =	vadd.f32 v15, v3  }
0x90: {  	v60 =	vld [tilespmem:s12+$0x5B60];
	v7 =	vadd.f32 v7, v8;
	v1 =	vadd.f32 v16, v1;
	[tilespmem:$0x6980] =	vst v5  }
0x91: {  	v4 =	vadd.f32 v9, v4;
	v61 =	vadd.f32 v17, v6;
	[tilespmem:$0x6990] =	vst v3  }
0x92: {  	v62 =	vadd.f32 v18, v7;
	[tilespmem:$0x69A0] =	vst v1  }
0x93: {  	v2 =	vadd.f32 v12, v2;
	v63 =	vadd.f32 v59, v4;
	[tilespmem:$0x69B0] =	vst v61  }
0x94: {  	v0 =	vadd.f32 v13, v0;
	[tilespmem:$0x69C0] =	vst v62  }
0x95: {  	s11 =	sadd.s32 $0x1, s11;
	v2 =	vadd.f32 v60, v2;
	[tilespmem:$0x69D0] =	vst v63  }
0x96: {  	p0 =	sne.s32 s11, s6;
	[tilespmem:$0x69F0] =	vst v0  }
.Ltmp6:
0x97: {  	[tilespmem:$0x69E0] =	vst v2;
	(pc) =	sbr.rel @p0 .LBB2_1-.Ltmp6, $4  }
0x98: {  	[hbm4b:s5+s2] =	stream.linear.scatter [tilespmem:s10], [sflag:$0x2], $0x200, $0x38;
	[tilespmem:$0x6A00] =	vst v63  }
0x99: {  	_ =	swait.ge [sflag:s7], $0x200  }
0x9a: {  	[sflag:s7] =	ssyncset.done $0x0  }
0x9b: {  	[sflag:s7] =	ssyncadd.s32 $0xFFFFFE00  }
0x9c: {  	_ =	sfence.sel $0x180000  }
0x9d: {  	[bflag:$0x0] =	sbarrier.arrive $0xFFFF  }
0x9e: {  	p0 =	sne.s32 s0, $0x0;
	_ =	strace $0x9000004A  }
0x9f: {  	s0 =	sadd.s32 @!p0 $0x100000, s1;
	[bflag:$0x2] =	sbarrier.arrive $0xFFFF  }
0xa0: {  	[sflag:s0] =	ssyncadd.tile.s32 @!p0 $0x1;
	_ =	shalt  }
.Lfunc_end2:
_tile_overlayer_lowered:
.L_overlay_start_2:
0xa1: {  	(tag) =	ssettag $0x2  }
0xa2: {  	s0 =	rddreg [dreg:$0x0];
	s2 =	stileid.u32  }
0xa3: {  	s1 =	rddreg [dreg:$0x1];
	p0 =	sne.s32 s2, $0x0  }
0xa4: {  	s3 =	rddreg [dreg:$0x2];
	[bflag:$0x3] =	sbarrier.arrive $0xFFFF;
	s2 =	simm.s32 @!p0 $0x1C02  }
0xa5: {  	[timem:s3], [sflag:s2] =	dma.local @!p0 [hbm:s0], s1  }
0xa6: {  	s0 =	simm.s32 @!p0 $0x2  }
0xa7: {  	_ =	swait.ge @!p0 [sflag:s0], s1  }
0xa8: {  	s1 =	ssub.s32 @!p0 $0x0, s1;
	[sflag:s0] =	ssyncset.done @!p0 $0x0  }
0xa9: {  	[sflag:s0] =	ssyncadd.s32 @!p0 s1  }
0xaa: {  	[bflag:$0x3] =	sbarrier.arrive $0xFFFF  }
0xab: {  	_ =	shalt  }

</sc_bundles>
